<compile_context>
chip_gen: v7x
topology: tpu7x:2x2x1
jax: 0.10.2.dev20260603
libtpu: 0.0.44.dev20260713+nightly
codegen_flags: <defaults>
</compile_context>

<pallas_src>
import functools

import jax
import jax.numpy as jnp
from jax import lax
from jax.experimental import pallas as pl
from jax.experimental.pallas import tpu as pltpu
from jax.experimental.pallas import tpu_sc as plsc

N = 10000
E = 320000
INC = 128
OUTC = 128
K = 27

NC = 2
NS = 16
NW = NC * NS

EPW = E // NW
CHUNK = 40
NCHUNK = EPW // CHUNK
NP = 10240
RPT = NP // NS


def _matmul_body(f_ref, w_ref, ei_ref, ko_ref, o_ref, gi_ref, di_ref):
    o_ref[...] = jnp.dot(f_ref[...], w_ref[0],
                         preferred_element_type=jnp.float32)

    @pl.when(pl.program_id(0) == 0)
    def _():
        gi_ref[...] = ko_ref[...] * N + ei_ref[0]
        di_ref[...] = ei_ref[1]


def _fx_all_offsets(features, kernel, edge_index, kernel_offsets):
    return pl.pallas_call(
        _matmul_body,
        grid=(K,),
        in_specs=[
            pl.BlockSpec((N, INC), lambda k: (0, 0)),
            pl.BlockSpec((1, INC, OUTC), lambda k: (k, 0, 0)),
            pl.BlockSpec((2, E), lambda k: (0, 0)),
            pl.BlockSpec((E,), lambda k: (0,)),
        ],
        out_specs=[
            pl.BlockSpec((N, OUTC), lambda k: (k, 0)),
            pl.BlockSpec((E,), lambda k: (0,)),
            pl.BlockSpec((E,), lambda k: (0,)),
        ],
        out_shape=[
            jax.ShapeDtypeStruct((K * N, OUTC), jnp.float32),
            jax.ShapeDtypeStruct((E,), jnp.int32),
            jax.ShapeDtypeStruct((E,), jnp.int32),
        ],
    )(features, kernel, edge_index, kernel_offsets)


_sc_mesh = plsc.VectorSubcoreMesh(core_axis_name="c", subcore_axis_name="s")


NBUF = 5
EPG = NBUF * CHUNK
NG = NCHUNK // NBUF



@functools.partial(
    pl.kernel,
    out_type=jax.ShapeDtypeStruct((NC, NP, OUTC), jnp.float32),
    mesh=_sc_mesh,
    scratch_types=(
        [pltpu.VMEM((EPG,), jnp.int32) for _ in range(2)]
        + [pltpu.VMEM((CHUNK,), jnp.int32) for _ in range(2 * NBUF)]
        + [pltpu.VMEM((CHUNK, OUTC), jnp.float32) for _ in range(NBUF)]
        + [pltpu.VMEM_SHARED((NP, OUTC), jnp.float32)]
        + [pltpu.SemaphoreType.DMA for _ in range(3 + 2 * NBUF)]
    ),
)
def _sc_gather_scatter(fx_hbm, gidx_hbm, didx_hbm, zro_hbm, out_hbm, *rest):
    idxg = rest[:2]
    idxd = [rest[2:2 + NBUF], rest[2 + NBUF:2 + 2 * NBUF]]
    rows = rest[2 + 2 * NBUF:2 + 3 * NBUF]
    acc = rest[2 + 3 * NBUF]
    isem = rest[3 + 3 * NBUF:5 + 3 * NBUF]
    gsem = rest[5 + 3 * NBUF:5 + 4 * NBUF]
    ssem = rest[5 + 4 * NBUF:5 + 5 * NBUF]
    zsem = rest[5 + 5 * NBUF]

    cid = lax.axis_index("c")
    sid = lax.axis_index("s")
    wid = cid * NS + sid
    base = wid * EPW

    pltpu.async_copy(zro_hbm, acc.at[pl.ds(sid * RPT, RPT)], zsem)

    def fire_idx(g, bank):
        off = base + g * EPG
        pltpu.async_copy(gidx_hbm.at[pl.ds(off, EPG)], idxg[bank], isem[bank])
        for b in range(NBUF):
            pltpu.async_copy(didx_hbm.at[pl.ds(off + b * CHUNK, CHUNK)],
                             idxd[bank][b], isem[bank])

    def wait_idx(bank):
        pltpu.make_async_copy(gidx_hbm.at[pl.ds(0, EPG)], idxg[bank],
                              isem[bank]).wait()
        for b in range(NBUF):
            pltpu.make_async_copy(didx_hbm.at[pl.ds(0, CHUNK)],
                                  idxd[bank][b], isem[bank]).wait()

    def fire_gather(bank, b):
        pltpu.async_copy(fx_hbm.at[idxg[bank].at[pl.ds(b * CHUNK, CHUNK)]],
                         rows[b], gsem[b])

    def wait_gather(bank, b):
        pltpu.make_async_copy(fx_hbm.at[idxg[bank].at[pl.ds(b * CHUNK, CHUNK)]],
                              rows[b], gsem[b]).wait()

    def fire_scatter(bank, b):
        pltpu.async_copy(rows[b], acc.at[idxd[bank][b]], ssem[b], add=True)

    def wait_scatter(bank, b):
        pltpu.make_async_copy(rows[b], acc.at[idxd[bank][b]], ssem[b]).wait()

    fire_idx(0, 0)
    fire_idx(1, 1)
    pltpu.make_async_copy(zro_hbm, acc.at[pl.ds(sid * RPT, RPT)], zsem).wait()
    plsc.subcore_barrier()
    wait_idx(0)
    for b in range(NBUF):
        fire_gather(0, b)

    def pair_body(g2, carry):
        for gg in range(2):
            g = 2 * g2 + gg
            nxt = 1 - gg
            for b in range(NBUF):
                wait_gather(gg, b)
                fire_scatter(gg, b)
            wait_idx(nxt)
            for b in range(NBUF):
                wait_scatter(gg, b)
                fire_gather(nxt, b)
            fire_idx(g + 2, gg)
        return carry

    lax.fori_loop(0, NG // 2 - 1, pair_body, 0)

    for b in range(NBUF):
        wait_gather(0, b)
        fire_scatter(0, b)
    wait_idx(1)
    for b in range(NBUF):
        wait_scatter(0, b)
        fire_gather(1, b)
    for b in range(NBUF):
        wait_gather(1, b)
        fire_scatter(1, b)
    for b in range(NBUF):
        wait_scatter(1, b)

    plsc.subcore_barrier()
    pltpu.sync_copy(acc.at[pl.ds(sid * RPT, RPT)],
                    out_hbm.at[cid, pl.ds(sid * RPT, RPT)])


def _sum_body(p_ref, o_ref):
    o_ref[...] = p_ref[0] + p_ref[1]


def _sum_partials(partials):
    bn = 2000
    return pl.pallas_call(
        _sum_body,
        grid=(N // bn,),
        in_specs=[pl.BlockSpec((NC, bn, OUTC), lambda i: (0, i, 0))],
        out_specs=pl.BlockSpec((bn, OUTC), lambda i: (i, 0)),
        out_shape=jax.ShapeDtypeStruct((N, OUTC), jnp.float32),
    )(partials)


@jax.jit
def kernel(features, coords, edge_index, kernel_offsets, kernel):
    del coords
    fx2, gidx, didx = _fx_all_offsets(features, kernel, edge_index,
                                      kernel_offsets)
    zro = jnp.zeros((RPT, OUTC), jnp.float32)

    partials = _sc_gather_scatter(fx2, gidx, didx, zro)
    return _sum_partials(partials)

# --- scband reference (transcript-rebuilt; emitter-appended) ---
"""Pipeline reference for scband-sparse-dynamic-conv3d-75462575391268 (READ-ONLY COPY).

The authoritative reference and input builder live on the scoring server;
editing this copy changes nothing except your own understanding.
"""

import jax, jax.numpy as jnp
import numpy as np
import math

N = 10000      # active voxels
E = 320000     # kernel-map pairs
INC = 128
OUTC = 128
KS = 3
K = KS ** 3    # 27 kernel offsets


def setup_inputs(seed: int = 0) -> dict:
    key = jax.random.key(seed)
    k1, k2, k3, k4, k5 = jax.random.split(key, 5)
    features = jax.random.normal(k1, (N, INC), dtype=jnp.float32)
    coords = jax.random.randint(k2, (N, 4), 0, 100, dtype=jnp.int32)
    edge_index = jax.random.randint(k3, (2, E), 0, N, dtype=jnp.int32)
    kernel_offsets = jax.random.randint(k4, (E,), 0, K, dtype=jnp.int32)
    # learned parameter: kernel [K, inc, outc], init uniform(-std, std), std = 1/sqrt(inc*k)
    std = 1.0 / math.sqrt(INC * K)
    kernel = jax.random.uniform(k5, (K, INC, OUTC), dtype=jnp.float32, minval=-std, maxval=std)
    return {
        "features": features,
        "coords": coords,
        "edge_index": edge_index,
        "kernel_offsets": kernel_offsets,
        "kernel": kernel,
    }


def reference(features, coords, edge_index, kernel_offsets, kernel):
    # Dynamic channel slicing (runtime_inc=INC, runtime_outc=OUTC -> full slices,
    # faithful to cur_kernel[:, arange(runtime_inc), :][..., arange(runtime_outc)])
    cur_kernel = kernel[:, jnp.arange(INC), :]
    cur_kernel = cur_kernel[..., jnp.arange(OUTC)]
    # spf.conv3d gather-GEMM-scatter over the kernel map:
    # out[dst] += features[src] @ cur_kernel[offset]
    # Implemented as: transform all nodes by all K weight slices, then gather per pair.
    fx = jnp.einsum('ni,kio->nko', features, cur_kernel)   # [N, K, OUTC]
    src = edge_index[0]
    dst = edge_index[1]
    msgs = fx[src, kernel_offsets]                          # gather [E, OUTC]
    out = jax.ops.segment_sum(msgs, dst, num_segments=N)    # scatter-add [N, OUTC]
    return out

if __name__ == "__main__":
    import jax
    _d = setup_inputs()
    print(jax.jit(kernel)(*tuple(_d.values())))

</pallas_src>

<mosaic_0001>
#map = affine_map<(d0, d1) -> (0, 0)>
#map1 = affine_map<(d0, d1) -> (0)>
#map2 = affine_map<(d0, d1) -> (0, 0, 0)>
module attributes {stable_mosaic.version = 14 : i64} {
  func.func @_sc_gather_scatter(%arg0: i32, %arg1: i32, %arg2: memref<270000x128xf32, #tpu.memory_space<hbm>>, %arg3: memref<320000xi32, #tpu.memory_space<hbm>>, %arg4: memref<320000xi32, #tpu.memory_space<hbm>>, %arg5: memref<640x128xf32, #tpu.memory_space<hbm>>, %arg6: memref<2x10240x128xf32, #tpu.memory_space<hbm>>, %arg7: memref<200xi32, #tpu.memory_space<vmem>>, %arg8: memref<200xi32, #tpu.memory_space<vmem>>, %arg9: memref<40xi32, #tpu.memory_space<vmem>>, %arg10: memref<40xi32, #tpu.memory_space<vmem>>, %arg11: memref<40xi32, #tpu.memory_space<vmem>>, %arg12: memref<40xi32, #tpu.memory_space<vmem>>, %arg13: memref<40xi32, #tpu.memory_space<vmem>>, %arg14: memref<40xi32, #tpu.memory_space<vmem>>, %arg15: memref<40xi32, #tpu.memory_space<vmem>>, %arg16: memref<40xi32, #tpu.memory_space<vmem>>, %arg17: memref<40xi32, #tpu.memory_space<vmem>>, %arg18: memref<40xi32, #tpu.memory_space<vmem>>, %arg19: memref<40x128xf32, #tpu.memory_space<vmem>>, %arg20: memref<40x128xf32, #tpu.memory_space<vmem>>, %arg21: memref<40x128xf32, #tpu.memory_space<vmem>>, %arg22: memref<40x128xf32, #tpu.memory_space<vmem>>, %arg23: memref<40x128xf32, #tpu.memory_space<vmem>>, %arg24: memref<10240x128xf32, #tpu.memory_space<vmem_shared>>, %arg25: memref<!tpu.dma_semaphore, #tpu.memory_space<semaphore_mem>>, %arg26: memref<!tpu.dma_semaphore, #tpu.memory_space<semaphore_mem>>, %arg27: memref<!tpu.dma_semaphore, #tpu.memory_space<semaphore_mem>>, %arg28: memref<!tpu.dma_semaphore, #tpu.memory_space<semaphore_mem>>, %arg29: memref<!tpu.dma_semaphore, #tpu.memory_space<semaphore_mem>>, %arg30: memref<!tpu.dma_semaphore, #tpu.memory_space<semaphore_mem>>, %arg31: memref<!tpu.dma_semaphore, #tpu.memory_space<semaphore_mem>>, %arg32: memref<!tpu.dma_semaphore, #tpu.memory_space<semaphore_mem>>, %arg33: memref<!tpu.dma_semaphore, #tpu.memory_space<semaphore_mem>>, %arg34: memref<!tpu.dma_semaphore, #tpu.memory_space<semaphore_mem>>, %arg35: memref<!tpu.dma_semaphore, #tpu.memory_space<semaphore_mem>>, %arg36: memref<!tpu.dma_semaphore, #tpu.memory_space<semaphore_mem>>, %arg37: memref<!tpu.dma_semaphore, #tpu.memory_space<semaphore_mem>>) attributes {dimension_semantics = [#tpu.dimension_semantics<core_parallel>, #tpu.dimension_semantics<subcore_parallel>], iteration_bounds = array<i64: 2, 16>, scalar_prefetch = 0 : i64, scratch_operands = 31 : i64, tpu.core_type = #tpu.core_type<sc_vector_subcore>, window_params = [{transform_indices = #map}, {transform_indices = #map1}, {transform_indices = #map1}, {transform_indices = #map}, {transform_indices = #map2}]} {
    %mul3A = arith.constant 16 : i32
    %mul3A_0 = arith.muli %arg0, %mul3A : i32
    %add3A = arith.addi %mul3A_0, %arg1 : i32
    %mul3A_1 = arith.constant 10000 : i32
    %mul3A_2 = arith.muli %add3A, %mul3A_1 : i32
    %mul3A_3 = arith.constant 640 : i32
    %mul3A_4 = arith.muli %arg1, %mul3A_3 : i32
    %dma_start3A = arith.constant 0 : i32
    %dma_start3A_5 = tpu.memref_slice %arg24[%mul3A_4, %dma_start3A] : memref<10240x128xf32, #tpu.memory_space<vmem_shared>> -> memref<640x128xf32, #tpu.memory_space<vmem_shared>>
    tpu.enqueue_dma source(%arg5 : memref<640x128xf32, #tpu.memory_space<hbm>>) target(%dma_start3A_5 : memref<640x128xf32, #tpu.memory_space<vmem_shared>>) target_semaphore(%arg37 : memref<!tpu.dma_semaphore, #tpu.memory_space<semaphore_mem>>)
    %add3A_6 = arith.constant 0 : i32
    %add3A_7 = arith.addi %mul3A_2, %add3A_6 : i32
    %dma_start3A_8 = tpu.memref_slice %arg3[%add3A_7] : memref<320000xi32, #tpu.memory_space<hbm>> -> memref<200xi32, #tpu.memory_space<hbm>>
    %dma_start3A_9 = tpu.memref_slice %arg3[%add3A_7] : memref<320000xi32, #tpu.memory_space<hbm>> -> memref<200xi32, #tpu.memory_space<hbm>>
    tpu.enqueue_dma source(%dma_start3A_9 : memref<200xi32, #tpu.memory_space<hbm>>) target(%arg7 : memref<200xi32, #tpu.memory_space<vmem>>) target_semaphore(%arg25 : memref<!tpu.dma_semaphore, #tpu.memory_space<semaphore_mem>>)
    %add3A_10 = arith.constant 0 : i32
    %add3A_11 = arith.addi %add3A_7, %add3A_10 : i32
    %dma_start3A_12 = tpu.memref_slice %arg4[%add3A_11] : memref<320000xi32, #tpu.memory_space<hbm>> -> memref<40xi32, #tpu.memory_space<hbm>>
    %dma_start3A_13 = tpu.memref_slice %arg4[%add3A_11] : memref<320000xi32, #tpu.memory_space<hbm>> -> memref<40xi32, #tpu.memory_space<hbm>>
    tpu.enqueue_dma source(%dma_start3A_13 : memref<40xi32, #tpu.memory_space<hbm>>) target(%arg9 : memref<40xi32, #tpu.memory_space<vmem>>) target_semaphore(%arg25 : memref<!tpu.dma_semaphore, #tpu.memory_space<semaphore_mem>>)
    %add3A_14 = arith.constant 40 : i32
    %add3A_15 = arith.addi %add3A_7, %add3A_14 : i32
    %dma_start3A_16 = tpu.memref_slice %arg4[%add3A_15] : memref<320000xi32, #tpu.memory_space<hbm>> -> memref<40xi32, #tpu.memory_space<hbm>>
    %dma_start3A_17 = tpu.memref_slice %arg4[%add3A_15] : memref<320000xi32, #tpu.memory_space<hbm>> -> memref<40xi32, #tpu.memory_space<hbm>>
    tpu.enqueue_dma source(%dma_start3A_17 : memref<40xi32, #tpu.memory_space<hbm>>) target(%arg10 : memref<40xi32, #tpu.memory_space<vmem>>) target_semaphore(%arg25 : memref<!tpu.dma_semaphore, #tpu.memory_space<semaphore_mem>>)
    %add3A_18 = arith.constant 80 : i32
    %add3A_19 = arith.addi %add3A_7, %add3A_18 : i32
    %dma_start3A_20 = tpu.memref_slice %arg4[%add3A_19] : memref<320000xi32, #tpu.memory_space<hbm>> -> memref<40xi32, #tpu.memory_space<hbm>>
    %dma_start3A_21 = tpu.memref_slice %arg4[%add3A_19] : memref<320000xi32, #tpu.memory_space<hbm>> -> memref<40xi32, #tpu.memory_space<hbm>>
    tpu.enqueue_dma source(%dma_start3A_21 : memref<40xi32, #tpu.memory_space<hbm>>) target(%arg11 : memref<40xi32, #tpu.memory_space<vmem>>) target_semaphore(%arg25 : memref<!tpu.dma_semaphore, #tpu.memory_space<semaphore_mem>>)
    %add3A_22 = arith.constant 120 : i32
    %add3A_23 = arith.addi %add3A_7, %add3A_22 : i32
    %dma_start3A_24 = tpu.memref_slice %arg4[%add3A_23] : memref<320000xi32, #tpu.memory_space<hbm>> -> memref<40xi32, #tpu.memory_space<hbm>>
    %dma_start3A_25 = tpu.memref_slice %arg4[%add3A_23] : memref<320000xi32, #tpu.memory_space<hbm>> -> memref<40xi32, #tpu.memory_space<hbm>>
    tpu.enqueue_dma source(%dma_start3A_25 : memref<40xi32, #tpu.memory_space<hbm>>) target(%arg12 : memref<40xi32, #tpu.memory_space<vmem>>) target_semaphore(%arg25 : memref<!tpu.dma_semaphore, #tpu.memory_space<semaphore_mem>>)
    %add3A_26 = arith.constant 160 : i32
    %add3A_27 = arith.addi %add3A_7, %add3A_26 : i32
    %dma_start3A_28 = tpu.memref_slice %arg4[%add3A_27] : memref<320000xi32, #tpu.memory_space<hbm>> -> memref<40xi32, #tpu.memory_space<hbm>>
    %dma_start3A_29 = tpu.memref_slice %arg4[%add3A_27] : memref<320000xi32, #tpu.memory_space<hbm>> -> memref<40xi32, #tpu.memory_space<hbm>>
    tpu.enqueue_dma source(%dma_start3A_29 : memref<40xi32, #tpu.memory_space<hbm>>) target(%arg13 : memref<40xi32, #tpu.memory_space<vmem>>) target_semaphore(%arg25 : memref<!tpu.dma_semaphore, #tpu.memory_space<semaphore_mem>>)
    %add3A_30 = arith.constant 200 : i32
    %add3A_31 = arith.addi %mul3A_2, %add3A_30 : i32
    %dma_start3A_32 = tpu.memref_slice %arg3[%add3A_31] : memref<320000xi32, #tpu.memory_space<hbm>> -> memref<200xi32, #tpu.memory_space<hbm>>
    %dma_start3A_33 = tpu.memref_slice %arg3[%add3A_31] : memref<320000xi32, #tpu.memory_space<hbm>> -> memref<200xi32, #tpu.memory_space<hbm>>
    tpu.enqueue_dma source(%dma_start3A_33 : memref<200xi32, #tpu.memory_space<hbm>>) target(%arg8 : memref<200xi32, #tpu.memory_space<vmem>>) target_semaphore(%arg26 : memref<!tpu.dma_semaphore, #tpu.memory_space<semaphore_mem>>)
    %add3A_34 = arith.constant 0 : i32
    %add3A_35 = arith.addi %add3A_31, %add3A_34 : i32
    %dma_start3A_36 = tpu.memref_slice %arg4[%add3A_35] : memref<320000xi32, #tpu.memory_space<hbm>> -> memref<40xi32, #tpu.memory_space<hbm>>
    %dma_start3A_37 = tpu.memref_slice %arg4[%add3A_35] : memref<320000xi32, #tpu.memory_space<hbm>> -> memref<40xi32, #tpu.memory_space<hbm>>
    tpu.enqueue_dma source(%dma_start3A_37 : memref<40xi32, #tpu.memory_space<hbm>>) target(%arg14 : memref<40xi32, #tpu.memory_space<vmem>>) target_semaphore(%arg26 : memref<!tpu.dma_semaphore, #tpu.memory_space<semaphore_mem>>)
    %add3A_38 = arith.constant 40 : i32
    %add3A_39 = arith.addi %add3A_31, %add3A_38 : i32
    %dma_start3A_40 = tpu.memref_slice %arg4[%add3A_39] : memref<320000xi32, #tpu.memory_space<hbm>> -> memref<40xi32, #tpu.memory_space<hbm>>
    %dma_start3A_41 = tpu.memref_slice %arg4[%add3A_39] : memref<320000xi32, #tpu.memory_space<hbm>> -> memref<40xi32, #tpu.memory_space<hbm>>
    tpu.enqueue_dma source(%dma_start3A_41 : memref<40xi32, #tpu.memory_space<hbm>>) target(%arg15 : memref<40xi32, #tpu.memory_space<vmem>>) target_semaphore(%arg26 : memref<!tpu.dma_semaphore, #tpu.memory_space<semaphore_mem>>)
    %add3A_42 = arith.constant 80 : i32
    %add3A_43 = arith.addi %add3A_31, %add3A_42 : i32
    %dma_start3A_44 = tpu.memref_slice %arg4[%add3A_43] : memref<320000xi32, #tpu.memory_space<hbm>> -> memref<40xi32, #tpu.memory_space<hbm>>
    %dma_start3A_45 = tpu.memref_slice %arg4[%add3A_43] : memref<320000xi32, #tpu.memory_space<hbm>> -> memref<40xi32, #tpu.memory_space<hbm>>
    tpu.enqueue_dma source(%dma_start3A_45 : memref<40xi32, #tpu.memory_space<hbm>>) target(%arg16 : memref<40xi32, #tpu.memory_space<vmem>>) target_semaphore(%arg26 : memref<!tpu.dma_semaphore, #tpu.memory_space<semaphore_mem>>)
    %add3A_46 = arith.constant 120 : i32
    %add3A_47 = arith.addi %add3A_31, %add3A_46 : i32
    %dma_start3A_48 = tpu.memref_slice %arg4[%add3A_47] : memref<320000xi32, #tpu.memory_space<hbm>> -> memref<40xi32, #tpu.memory_space<hbm>>
    %dma_start3A_49 = tpu.memref_slice %arg4[%add3A_47] : memref<320000xi32, #tpu.memory_space<hbm>> -> memref<40xi32, #tpu.memory_space<hbm>>
    tpu.enqueue_dma source(%dma_start3A_49 : memref<40xi32, #tpu.memory_space<hbm>>) target(%arg17 : memref<40xi32, #tpu.memory_space<vmem>>) target_semaphore(%arg26 : memref<!tpu.dma_semaphore, #tpu.memory_space<semaphore_mem>>)
    %add3A_50 = arith.constant 160 : i32
    %add3A_51 = arith.addi %add3A_31, %add3A_50 : i32
    %dma_start3A_52 = tpu.memref_slice %arg4[%add3A_51] : memref<320000xi32, #tpu.memory_space<hbm>> -> memref<40xi32, #tpu.memory_space<hbm>>
    %dma_start3A_53 = tpu.memref_slice %arg4[%add3A_51] : memref<320000xi32, #tpu.memory_space<hbm>> -> memref<40xi32, #tpu.memory_space<hbm>>
    tpu.enqueue_dma source(%dma_start3A_53 : memref<40xi32, #tpu.memory_space<hbm>>) target(%arg18 : memref<40xi32, #tpu.memory_space<vmem>>) target_semaphore(%arg26 : memref<!tpu.dma_semaphore, #tpu.memory_space<semaphore_mem>>)
    %mul3A_54 = arith.constant 640 : i32
    %mul3A_55 = arith.muli %arg1, %mul3A_54 : i32
    %dma_wait3A = arith.constant 0 : i32
    %dma_wait3A_56 = tpu.memref_slice %arg24[%mul3A_55, %dma_wait3A] : memref<10240x128xf32, #tpu.memory_space<vmem_shared>> -> memref<640x128xf32, #tpu.memory_space<vmem_shared>>
    tpu.wait_dma2 semaphore(%arg37 : memref<!tpu.dma_semaphore, #tpu.memory_space<semaphore_mem>>) src(%arg5 : memref<640x128xf32, #tpu.memory_space<hbm>>) dst(%dma_wait3A_56 : memref<640x128xf32, #tpu.memory_space<vmem_shared>>)
    %barrier3A = arith.constant 0 : index
    tpu.barrier barrier_id(%barrier3A)
    %dma_wait3A_57 = arith.constant 0 : i32
    %dma_wait3A_58 = tpu.memref_slice %arg3[%dma_wait3A_57] : memref<320000xi32, #tpu.memory_space<hbm>> -> memref<200xi32, #tpu.memory_space<hbm>>
    %dma_wait3A_59 = arith.constant 0 : i32
    %dma_wait3A_60 = tpu.memref_slice %arg3[%dma_wait3A_59] : memref<320000xi32, #tpu.memory_space<hbm>> -> memref<200xi32, #tpu.memory_space<hbm>>
    tpu.wait_dma2 semaphore(%arg25 : memref<!tpu.dma_semaphore, #tpu.memory_space<semaphore_mem>>) src(%dma_wait3A_60 : memref<200xi32, #tpu.memory_space<hbm>>) dst(%arg7 : memref<200xi32, #tpu.memory_space<vmem>>)
    %dma_wait3A_61 = arith.constant 0 : i32
    %dma_wait3A_62 = tpu.memref_slice %arg4[%dma_wait3A_61] : memref<320000xi32, #tpu.memory_space<hbm>> -> memref<40xi32, #tpu.memory_space<hbm>>
    %dma_wait3A_63 = arith.constant 0 : i32
    %dma_wait3A_64 = tpu.memref_slice %arg4[%dma_wait3A_63] : memref<320000xi32, #tpu.memory_space<hbm>> -> memref<40xi32, #tpu.memory_space<hbm>>
    tpu.wait_dma2 semaphore(%arg25 : memref<!tpu.dma_semaphore, #tpu.memory_space<semaphore_mem>>) src(%dma_wait3A_64 : memref<40xi32, #tpu.memory_space<hbm>>) dst(%arg9 : memref<40xi32, #tpu.memory_space<vmem>>)
    %dma_wait3A_65 = arith.constant 0 : i32
    %dma_wait3A_66 = tpu.memref_slice %arg4[%dma_wait3A_65] : memref<320000xi32, #tpu.memory_space<hbm>> -> memref<40xi32, #tpu.memory_space<hbm>>
    %dma_wait3A_67 = arith.constant 0 : i32
    %dma_wait3A_68 = tpu.memref_slice %arg4[%dma_wait3A_67] : memref<320000xi32, #tpu.memory_space<hbm>> -> memref<40xi32, #tpu.memory_space<hbm>>
    tpu.wait_dma2 semaphore(%arg25 : memref<!tpu.dma_semaphore, #tpu.memory_space<semaphore_mem>>) src(%dma_wait3A_68 : memref<40xi32, #tpu.memory_space<hbm>>) dst(%arg10 : memref<40xi32, #tpu.memory_space<vmem>>)
    %dma_wait3A_69 = arith.constant 0 : i32
    %dma_wait3A_70 = tpu.memref_slice %arg4[%dma_wait3A_69] : memref<320000xi32, #tpu.memory_space<hbm>> -> memref<40xi32, #tpu.memory_space<hbm>>
    %dma_wait3A_71 = arith.constant 0 : i32
    %dma_wait3A_72 = tpu.memref_slice %arg4[%dma_wait3A_71] : memref<320000xi32, #tpu.memory_space<hbm>> -> memref<40xi32, #tpu.memory_space<hbm>>
    tpu.wait_dma2 semaphore(%arg25 : memref<!tpu.dma_semaphore, #tpu.memory_space<semaphore_mem>>) src(%dma_wait3A_72 : memref<40xi32, #tpu.memory_space<hbm>>) dst(%arg11 : memref<40xi32, #tpu.memory_space<vmem>>)
    %dma_wait3A_73 = arith.constant 0 : i32
    %dma_wait3A_74 = tpu.memref_slice %arg4[%dma_wait3A_73] : memref<320000xi32, #tpu.memory_space<hbm>> -> memref<40xi32, #tpu.memory_space<hbm>>
    %dma_wait3A_75 = arith.constant 0 : i32
    %dma_wait3A_76 = tpu.memref_slice %arg4[%dma_wait3A_75] : memref<320000xi32, #tpu.memory_space<hbm>> -> memref<40xi32, #tpu.memory_space<hbm>>
    tpu.wait_dma2 semaphore(%arg25 : memref<!tpu.dma_semaphore, #tpu.memory_space<semaphore_mem>>) src(%dma_wait3A_76 : memref<40xi32, #tpu.memory_space<hbm>>) dst(%arg12 : memref<40xi32, #tpu.memory_space<vmem>>)
    %dma_wait3A_77 = arith.constant 0 : i32
    %dma_wait3A_78 = tpu.memref_slice %arg4[%dma_wait3A_77] : memref<320000xi32, #tpu.memory_space<hbm>> -> memref<40xi32, #tpu.memory_space<hbm>>
    %dma_wait3A_79 = arith.constant 0 : i32
    %dma_wait3A_80 = tpu.memref_slice %arg4[%dma_wait3A_79] : memref<320000xi32, #tpu.memory_space<hbm>> -> memref<40xi32, #tpu.memory_space<hbm>>
    tpu.wait_dma2 semaphore(%arg25 : memref<!tpu.dma_semaphore, #tpu.memory_space<semaphore_mem>>) src(%dma_wait3A_80 : memref<40xi32, #tpu.memory_space<hbm>>) dst(%arg13 : memref<40xi32, #tpu.memory_space<vmem>>)
    %dma_start3A_81 = arith.constant 0 : i32
    %dma_start3A_82 = tpu.memref_slice %arg7[%dma_start3A_81] : memref<200xi32, #tpu.memory_space<vmem>> -> memref<40xi32, #tpu.memory_space<vmem>>
    %dma_start3A_83 = arith.constant 0 : i32
    %dma_start3A_84 = arith.constant 0 : i32
    %dma_start3A_85 = tpu.memref_slice %arg2[%dma_start3A_83, %dma_start3A_84] : memref<270000x128xf32, #tpu.memory_space<hbm>> -> memref<270000x128xf32, #tpu.memory_space<hbm>>
    tpu.enqueue_indirect_dma source(%dma_start3A_85 : memref<270000x128xf32, #tpu.memory_space<hbm>>) target(%arg19 : memref<40x128xf32, #tpu.memory_space<vmem>>) offsets(%dma_start3A_82 : memref<40xi32, #tpu.memory_space<vmem>>) semaphore(%arg27 : memref<!tpu.dma_semaphore, #tpu.memory_space<semaphore_mem>>)
    %dma_start3A_86 = arith.constant 40 : i32
    %dma_start3A_87 = tpu.memref_slice %arg7[%dma_start3A_86] : memref<200xi32, #tpu.memory_space<vmem>> -> memref<40xi32, #tpu.memory_space<vmem>>
    %dma_start3A_88 = arith.constant 0 : i32
    %dma_start3A_89 = arith.constant 0 : i32
    %dma_start3A_90 = tpu.memref_slice %arg2[%dma_start3A_88, %dma_start3A_89] : memref<270000x128xf32, #tpu.memory_space<hbm>> -> memref<270000x128xf32, #tpu.memory_space<hbm>>
    tpu.enqueue_indirect_dma source(%dma_start3A_90 : memref<270000x128xf32, #tpu.memory_space<hbm>>) target(%arg20 : memref<40x128xf32, #tpu.memory_space<vmem>>) offsets(%dma_start3A_87 : memref<40xi32, #tpu.memory_space<vmem>>) semaphore(%arg28 : memref<!tpu.dma_semaphore, #tpu.memory_space<semaphore_mem>>)
    %dma_start3A_91 = arith.constant 80 : i32
    %dma_start3A_92 = tpu.memref_slice %arg7[%dma_start3A_91] : memref<200xi32, #tpu.memory_space<vmem>> -> memref<40xi32, #tpu.memory_space<vmem>>
    %dma_start3A_93 = arith.constant 0 : i32
    %dma_start3A_94 = arith.constant 0 : i32
    %dma_start3A_95 = tpu.memref_slice %arg2[%dma_start3A_93, %dma_start3A_94] : memref<270000x128xf32, #tpu.memory_space<hbm>> -> memref<270000x128xf32, #tpu.memory_space<hbm>>
    tpu.enqueue_indirect_dma source(%dma_start3A_95 : memref<270000x128xf32, #tpu.memory_space<hbm>>) target(%arg21 : memref<40x128xf32, #tpu.memory_space<vmem>>) offsets(%dma_start3A_92 : memref<40xi32, #tpu.memory_space<vmem>>) semaphore(%arg29 : memref<!tpu.dma_semaphore, #tpu.memory_space<semaphore_mem>>)
    %dma_start3A_96 = arith.constant 120 : i32
    %dma_start3A_97 = tpu.memref_slice %arg7[%dma_start3A_96] : memref<200xi32, #tpu.memory_space<vmem>> -> memref<40xi32, #tpu.memory_space<vmem>>
    %dma_start3A_98 = arith.constant 0 : i32
    %dma_start3A_99 = arith.constant 0 : i32
    %dma_start3A_100 = tpu.memref_slice %arg2[%dma_start3A_98, %dma_start3A_99] : memref<270000x128xf32, #tpu.memory_space<hbm>> -> memref<270000x128xf32, #tpu.memory_space<hbm>>
    tpu.enqueue_indirect_dma source(%dma_start3A_100 : memref<270000x128xf32, #tpu.memory_space<hbm>>) target(%arg22 : memref<40x128xf32, #tpu.memory_space<vmem>>) offsets(%dma_start3A_97 : memref<40xi32, #tpu.memory_space<vmem>>) semaphore(%arg30 : memref<!tpu.dma_semaphore, #tpu.memory_space<semaphore_mem>>)
    %dma_start3A_101 = arith.constant 160 : i32
    %dma_start3A_102 = tpu.memref_slice %arg7[%dma_start3A_101] : memref<200xi32, #tpu.memory_space<vmem>> -> memref<40xi32, #tpu.memory_space<vmem>>
    %dma_start3A_103 = arith.constant 0 : i32
    %dma_start3A_104 = arith.constant 0 : i32
    %dma_start3A_105 = tpu.memref_slice %arg2[%dma_start3A_103, %dma_start3A_104] : memref<270000x128xf32, #tpu.memory_space<hbm>> -> memref<270000x128xf32, #tpu.memory_space<hbm>>
    tpu.enqueue_indirect_dma source(%dma_start3A_105 : memref<270000x128xf32, #tpu.memory_space<hbm>>) target(%arg23 : memref<40x128xf32, #tpu.memory_space<vmem>>) offsets(%dma_start3A_102 : memref<40xi32, #tpu.memory_space<vmem>>) semaphore(%arg31 : memref<!tpu.dma_semaphore, #tpu.memory_space<semaphore_mem>>)
    %scan3A = arith.constant 0 : i32
    %scan3A_106 = arith.constant 0 : i32
    %scan3A_107 = arith.constant 24 : i32
    %scan3A_108 = arith.addi %scan3A_106, %scan3A_107 : i32
    %scan3A_109 = arith.constant 1 : i32
    scf.for %scan3A_275 = %scan3A_106 to %scan3A_108 step %scan3A_109  : i32 {
      %mul3A_276 = arith.constant 2 : i32
      %mul3A_277 = arith.muli %mul3A_276, %scan3A_275 : i32
      %add3A_278 = arith.constant 0 : i32
      %add3A_279 = arith.addi %mul3A_277, %add3A_278 : i32
      %dma_wait3A_280 = arith.constant 0 : i32
      %dma_wait3A_281 = tpu.memref_slice %arg7[%dma_wait3A_280] : memref<200xi32, #tpu.memory_space<vmem>> -> memref<40xi32, #tpu.memory_space<vmem>>
      %dma_wait3A_282 = arith.constant 0 : i32
      %dma_wait3A_283 = arith.constant 0 : i32
      %dma_wait3A_284 = tpu.memref_slice %arg2[%dma_wait3A_282, %dma_wait3A_283] : memref<270000x128xf32, #tpu.memory_space<hbm>> -> memref<270000x128xf32, #tpu.memory_space<hbm>>
      tpu.wait_indirect_dma semaphore(%arg27 : memref<!tpu.dma_semaphore, #tpu.memory_space<semaphore_mem>>) src(%dma_wait3A_284 : memref<270000x128xf32, #tpu.memory_space<hbm>>) dst(%arg19 : memref<40x128xf32, #tpu.memory_space<vmem>>)
      %dma_start3A_285 = arith.constant 0 : i32
      %dma_start3A_286 = arith.constant 0 : i32
      %dma_start3A_287 = tpu.memref_slice %arg24[%dma_start3A_285, %dma_start3A_286] : memref<10240x128xf32, #tpu.memory_space<vmem_shared>> -> memref<10240x128xf32, #tpu.memory_space<vmem_shared>>
      tpu.enqueue_indirect_dma source(%arg19 : memref<40x128xf32, #tpu.memory_space<vmem>>) target(%dma_start3A_287 : memref<10240x128xf32, #tpu.memory_space<vmem_shared>>) offsets(%arg9 : memref<40xi32, #tpu.memory_space<vmem>>) semaphore(%arg32 : memref<!tpu.dma_semaphore, #tpu.memory_space<semaphore_mem>>) {add = true}
      %dma_wait3A_288 = arith.constant 40 : i32
      %dma_wait3A_289 = tpu.memref_slice %arg7[%dma_wait3A_288] : memref<200xi32, #tpu.memory_space<vmem>> -> memref<40xi32, #tpu.memory_space<vmem>>
      %dma_wait3A_290 = arith.constant 0 : i32
      %dma_wait3A_291 = arith.constant 0 : i32
      %dma_wait3A_292 = tpu.memref_slice %arg2[%dma_wait3A_290, %dma_wait3A_291] : memref<270000x128xf32, #tpu.memory_space<hbm>> -> memref<270000x128xf32, #tpu.memory_space<hbm>>
      tpu.wait_indirect_dma semaphore(%arg28 : memref<!tpu.dma_semaphore, #tpu.memory_space<semaphore_mem>>) src(%dma_wait3A_292 : memref<270000x128xf32, #tpu.memory_space<hbm>>) dst(%arg20 : memref<40x128xf32, #tpu.memory_space<vmem>>)
      %dma_start3A_293 = arith.constant 0 : i32
      %dma_start3A_294 = arith.constant 0 : i32
      %dma_start3A_295 = tpu.memref_slice %arg24[%dma_start3A_293, %dma_start3A_294] : memref<10240x128xf32, #tpu.memory_space<vmem_shared>> -> memref<10240x128xf32, #tpu.memory_space<vmem_shared>>
      tpu.enqueue_indirect_dma source(%arg20 : memref<40x128xf32, #tpu.memory_space<vmem>>) target(%dma_start3A_295 : memref<10240x128xf32, #tpu.memory_space<vmem_shared>>) offsets(%arg10 : memref<40xi32, #tpu.memory_space<vmem>>) semaphore(%arg33 : memref<!tpu.dma_semaphore, #tpu.memory_space<semaphore_mem>>) {add = true}
      %dma_wait3A_296 = arith.constant 80 : i32
      %dma_wait3A_297 = tpu.memref_slice %arg7[%dma_wait3A_296] : memref<200xi32, #tpu.memory_space<vmem>> -> memref<40xi32, #tpu.memory_space<vmem>>
      %dma_wait3A_298 = arith.constant 0 : i32
      %dma_wait3A_299 = arith.constant 0 : i32
      %dma_wait3A_300 = tpu.memref_slice %arg2[%dma_wait3A_298, %dma_wait3A_299] : memref<270000x128xf32, #tpu.memory_space<hbm>> -> memref<270000x128xf32, #tpu.memory_space<hbm>>
      tpu.wait_indirect_dma semaphore(%arg29 : memref<!tpu.dma_semaphore, #tpu.memory_space<semaphore_mem>>) src(%dma_wait3A_300 : memref<270000x128xf32, #tpu.memory_space<hbm>>) dst(%arg21 : memref<40x128xf32, #tpu.memory_space<vmem>>)
      %dma_start3A_301 = arith.constant 0 : i32
      %dma_start3A_302 = arith.constant 0 : i32
      %dma_start3A_303 = tpu.memref_slice %arg24[%dma_start3A_301, %dma_start3A_302] : memref<10240x128xf32, #tpu.memory_space<vmem_shared>> -> memref<10240x128xf32, #tpu.memory_space<vmem_shared>>
      tpu.enqueue_indirect_dma source(%arg21 : memref<40x128xf32, #tpu.memory_space<vmem>>) target(%dma_start3A_303 : memref<10240x128xf32, #tpu.memory_space<vmem_shared>>) offsets(%arg11 : memref<40xi32, #tpu.memory_space<vmem>>) semaphore(%arg34 : memref<!tpu.dma_semaphore, #tpu.memory_space<semaphore_mem>>) {add = true}
      %dma_wait3A_304 = arith.constant 120 : i32
      %dma_wait3A_305 = tpu.memref_slice %arg7[%dma_wait3A_304] : memref<200xi32, #tpu.memory_space<vmem>> -> memref<40xi32, #tpu.memory_space<vmem>>
      %dma_wait3A_306 = arith.constant 0 : i32
      %dma_wait3A_307 = arith.constant 0 : i32
      %dma_wait3A_308 = tpu.memref_slice %arg2[%dma_wait3A_306, %dma_wait3A_307] : memref<270000x128xf32, #tpu.memory_space<hbm>> -> memref<270000x128xf32, #tpu.memory_space<hbm>>
      tpu.wait_indirect_dma semaphore(%arg30 : memref<!tpu.dma_semaphore, #tpu.memory_space<semaphore_mem>>) src(%dma_wait3A_308 : memref<270000x128xf32, #tpu.memory_space<hbm>>) dst(%arg22 : memref<40x128xf32, #tpu.memory_space<vmem>>)
      %dma_start3A_309 = arith.constant 0 : i32
      %dma_start3A_310 = arith.constant 0 : i32
      %dma_start3A_311 = tpu.memref_slice %arg24[%dma_start3A_309, %dma_start3A_310] : memref<10240x128xf32, #tpu.memory_space<vmem_shared>> -> memref<10240x128xf32, #tpu.memory_space<vmem_shared>>
      tpu.enqueue_indirect_dma source(%arg22 : memref<40x128xf32, #tpu.memory_space<vmem>>) target(%dma_start3A_311 : memref<10240x128xf32, #tpu.memory_space<vmem_shared>>) offsets(%arg12 : memref<40xi32, #tpu.memory_space<vmem>>) semaphore(%arg35 : memref<!tpu.dma_semaphore, #tpu.memory_space<semaphore_mem>>) {add = true}
      %dma_wait3A_312 = arith.constant 160 : i32
      %dma_wait3A_313 = tpu.memref_slice %arg7[%dma_wait3A_312] : memref<200xi32, #tpu.memory_space<vmem>> -> memref<40xi32, #tpu.memory_space<vmem>>
      %dma_wait3A_314 = arith.constant 0 : i32
      %dma_wait3A_315 = arith.constant 0 : i32
      %dma_wait3A_316 = tpu.memref_slice %arg2[%dma_wait3A_314, %dma_wait3A_315] : memref<270000x128xf32, #tpu.memory_space<hbm>> -> memref<270000x128xf32, #tpu.memory_space<hbm>>
      tpu.wait_indirect_dma semaphore(%arg31 : memref<!tpu.dma_semaphore, #tpu.memory_space<semaphore_mem>>) src(%dma_wait3A_316 : memref<270000x128xf32, #tpu.memory_space<hbm>>) dst(%arg23 : memref<40x128xf32, #tpu.memory_space<vmem>>)
      %dma_start3A_317 = arith.constant 0 : i32
      %dma_start3A_318 = arith.constant 0 : i32
      %dma_start3A_319 = tpu.memref_slice %arg24[%dma_start3A_317, %dma_start3A_318] : memref<10240x128xf32, #tpu.memory_space<vmem_shared>> -> memref<10240x128xf32, #tpu.memory_space<vmem_shared>>
      tpu.enqueue_indirect_dma source(%arg23 : memref<40x128xf32, #tpu.memory_space<vmem>>) target(%dma_start3A_319 : memref<10240x128xf32, #tpu.memory_space<vmem_shared>>) offsets(%arg13 : memref<40xi32, #tpu.memory_space<vmem>>) semaphore(%arg36 : memref<!tpu.dma_semaphore, #tpu.memory_space<semaphore_mem>>) {add = true}
      %dma_wait3A_320 = arith.constant 0 : i32
      %dma_wait3A_321 = tpu.memref_slice %arg3[%dma_wait3A_320] : memref<320000xi32, #tpu.memory_space<hbm>> -> memref<200xi32, #tpu.memory_space<hbm>>
      %dma_wait3A_322 = arith.constant 0 : i32
      %dma_wait3A_323 = tpu.memref_slice %arg3[%dma_wait3A_322] : memref<320000xi32, #tpu.memory_space<hbm>> -> memref<200xi32, #tpu.memory_space<hbm>>
      tpu.wait_dma2 semaphore(%arg26 : memref<!tpu.dma_semaphore, #tpu.memory_space<semaphore_mem>>) src(%dma_wait3A_323 : memref<200xi32, #tpu.memory_space<hbm>>) dst(%arg8 : memref<200xi32, #tpu.memory_space<vmem>>)
      %dma_wait3A_324 = arith.constant 0 : i32
      %dma_wait3A_325 = tpu.memref_slice %arg4[%dma_wait3A_324] : memref<320000xi32, #tpu.memory_space<hbm>> -> memref<40xi32, #tpu.memory_space<hbm>>
      %dma_wait3A_326 = arith.constant 0 : i32
      %dma_wait3A_327 = tpu.memref_slice %arg4[%dma_wait3A_326] : memref<320000xi32, #tpu.memory_space<hbm>> -> memref<40xi32, #tpu.memory_space<hbm>>
      tpu.wait_dma2 semaphore(%arg26 : memref<!tpu.dma_semaphore, #tpu.memory_space<semaphore_mem>>) src(%dma_wait3A_327 : memref<40xi32, #tpu.memory_space<hbm>>) dst(%arg14 : memref<40xi32, #tpu.memory_space<vmem>>)
      %dma_wait3A_328 = arith.constant 0 : i32
      %dma_wait3A_329 = tpu.memref_slice %arg4[%dma_wait3A_328] : memref<320000xi32, #tpu.memory_space<hbm>> -> memref<40xi32, #tpu.memory_space<hbm>>
      %dma_wait3A_330 = arith.constant 0 : i32
      %dma_wait3A_331 = tpu.memref_slice %arg4[%dma_wait3A_330] : memref<320000xi32, #tpu.memory_space<hbm>> -> memref<40xi32, #tpu.memory_space<hbm>>
      tpu.wait_dma2 semaphore(%arg26 : memref<!tpu.dma_semaphore, #tpu.memory_space<semaphore_mem>>) src(%dma_wait3A_331 : memref<40xi32, #tpu.memory_space<hbm>>) dst(%arg15 : memref<40xi32, #tpu.memory_space<vmem>>)
      %dma_wait3A_332 = arith.constant 0 : i32
      %dma_wait3A_333 = tpu.memref_slice %arg4[%dma_wait3A_332] : memref<320000xi32, #tpu.memory_space<hbm>> -> memref<40xi32, #tpu.memory_space<hbm>>
      %dma_wait3A_334 = arith.constant 0 : i32
      %dma_wait3A_335 = tpu.memref_slice %arg4[%dma_wait3A_334] : memref<320000xi32, #tpu.memory_space<hbm>> -> memref<40xi32, #tpu.memory_space<hbm>>
      tpu.wait_dma2 semaphore(%arg26 : memref<!tpu.dma_semaphore, #tpu.memory_space<semaphore_mem>>) src(%dma_wait3A_335 : memref<40xi32, #tpu.memory_space<hbm>>) dst(%arg16 : memref<40xi32, #tpu.memory_space<vmem>>)
      %dma_wait3A_336 = arith.constant 0 : i32
      %dma_wait3A_337 = tpu.memref_slice %arg4[%dma_wait3A_336] : memref<320000xi32, #tpu.memory_space<hbm>> -> memref<40xi32, #tpu.memory_space<hbm>>
      %dma_wait3A_338 = arith.constant 0 : i32
      %dma_wait3A_339 = tpu.memref_slice %arg4[%dma_wait3A_338] : memref<320000xi32, #tpu.memory_space<hbm>> -> memref<40xi32, #tpu.memory_space<hbm>>
      tpu.wait_dma2 semaphore(%arg26 : memref<!tpu.dma_semaphore, #tpu.memory_space<semaphore_mem>>) src(%dma_wait3A_339 : memref<40xi32, #tpu.memory_space<hbm>>) dst(%arg17 : memref<40xi32, #tpu.memory_space<vmem>>)
      %dma_wait3A_340 = arith.constant 0 : i32
      %dma_wait3A_341 = tpu.memref_slice %arg4[%dma_wait3A_340] : memref<320000xi32, #tpu.memory_space<hbm>> -> memref<40xi32, #tpu.memory_space<hbm>>
      %dma_wait3A_342 = arith.constant 0 : i32
      %dma_wait3A_343 = tpu.memref_slice %arg4[%dma_wait3A_342] : memref<320000xi32, #tpu.memory_space<hbm>> -> memref<40xi32, #tpu.memory_space<hbm>>
      tpu.wait_dma2 semaphore(%arg26 : memref<!tpu.dma_semaphore, #tpu.memory_space<semaphore_mem>>) src(%dma_wait3A_343 : memref<40xi32, #tpu.memory_space<hbm>>) dst(%arg18 : memref<40xi32, #tpu.memory_space<vmem>>)
      %dma_wait3A_344 = arith.constant 0 : i32
      %dma_wait3A_345 = arith.constant 0 : i32
      %dma_wait3A_346 = tpu.memref_slice %arg24[%dma_wait3A_344, %dma_wait3A_345] : memref<10240x128xf32, #tpu.memory_space<vmem_shared>> -> memref<10240x128xf32, #tpu.memory_space<vmem_shared>>
      tpu.wait_indirect_dma semaphore(%arg32 : memref<!tpu.dma_semaphore, #tpu.memory_space<semaphore_mem>>) src(%arg19 : memref<40x128xf32, #tpu.memory_space<vmem>>) dst(%dma_wait3A_346 : memref<10240x128xf32, #tpu.memory_space<vmem_shared>>)
      %dma_start3A_347 = arith.constant 0 : i32
      %dma_start3A_348 = tpu.memref_slice %arg8[%dma_start3A_347] : memref<200xi32, #tpu.memory_space<vmem>> -> memref<40xi32, #tpu.memory_space<vmem>>
      %dma_start3A_349 = arith.constant 0 : i32
      %dma_start3A_350 = arith.constant 0 : i32
      %dma_start3A_351 = tpu.memref_slice %arg2[%dma_start3A_349, %dma_start3A_350] : memref<270000x128xf32, #tpu.memory_space<hbm>> -> memref<270000x128xf32, #tpu.memory_space<hbm>>
      tpu.enqueue_indirect_dma source(%dma_start3A_351 : memref<270000x128xf32, #tpu.memory_space<hbm>>) target(%arg19 : memref<40x128xf32, #tpu.memory_space<vmem>>) offsets(%dma_start3A_348 : memref<40xi32, #tpu.memory_space<vmem>>) semaphore(%arg27 : memref<!tpu.dma_semaphore, #tpu.memory_space<semaphore_mem>>)
      %dma_wait3A_352 = arith.constant 0 : i32
      %dma_wait3A_353 = arith.constant 0 : i32
      %dma_wait3A_354 = tpu.memref_slice %arg24[%dma_wait3A_352, %dma_wait3A_353] : memref<10240x128xf32, #tpu.memory_space<vmem_shared>> -> memref<10240x128xf32, #tpu.memory_space<vmem_shared>>
      tpu.wait_indirect_dma semaphore(%arg33 : memref<!tpu.dma_semaphore, #tpu.memory_space<semaphore_mem>>) src(%arg20 : memref<40x128xf32, #tpu.memory_space<vmem>>) dst(%dma_wait3A_354 : memref<10240x128xf32, #tpu.memory_space<vmem_shared>>)
      %dma_start3A_355 = arith.constant 40 : i32
      %dma_start3A_356 = tpu.memref_slice %arg8[%dma_start3A_355] : memref<200xi32, #tpu.memory_space<vmem>> -> memref<40xi32, #tpu.memory_space<vmem>>
      %dma_start3A_357 = arith.constant 0 : i32
      %dma_start3A_358 = arith.constant 0 : i32
      %dma_start3A_359 = tpu.memref_slice %arg2[%dma_start3A_357, %dma_start3A_358] : memref<270000x128xf32, #tpu.memory_space<hbm>> -> memref<270000x128xf32, #tpu.memory_space<hbm>>
      tpu.enqueue_indirect_dma source(%dma_start3A_359 : memref<270000x128xf32, #tpu.memory_space<hbm>>) target(%arg20 : memref<40x128xf32, #tpu.memory_space<vmem>>) offsets(%dma_start3A_356 : memref<40xi32, #tpu.memory_space<vmem>>) semaphore(%arg28 : memref<!tpu.dma_semaphore, #tpu.memory_space<semaphore_mem>>)
      %dma_wait3A_360 = arith.constant 0 : i32
      %dma_wait3A_361 = arith.constant 0 : i32
      %dma_wait3A_362 = tpu.memref_slice %arg24[%dma_wait3A_360, %dma_wait3A_361] : memref<10240x128xf32, #tpu.memory_space<vmem_shared>> -> memref<10240x128xf32, #tpu.memory_space<vmem_shared>>
      tpu.wait_indirect_dma semaphore(%arg34 : memref<!tpu.dma_semaphore, #tpu.memory_space<semaphore_mem>>) src(%arg21 : memref<40x128xf32, #tpu.memory_space<vmem>>) dst(%dma_wait3A_362 : memref<10240x128xf32, #tpu.memory_space<vmem_shared>>)
      %dma_start3A_363 = arith.constant 80 : i32
      %dma_start3A_364 = tpu.memref_slice %arg8[%dma_start3A_363] : memref<200xi32, #tpu.memory_space<vmem>> -> memref<40xi32, #tpu.memory_space<vmem>>
      %dma_start3A_365 = arith.constant 0 : i32
      %dma_start3A_366 = arith.constant 0 : i32
      %dma_start3A_367 = tpu.memref_slice %arg2[%dma_start3A_365, %dma_start3A_366] : memref<270000x128xf32, #tpu.memory_space<hbm>> -> memref<270000x128xf32, #tpu.memory_space<hbm>>
      tpu.enqueue_indirect_dma source(%dma_start3A_367 : memref<270000x128xf32, #tpu.memory_space<hbm>>) target(%arg21 : memref<40x128xf32, #tpu.memory_space<vmem>>) offsets(%dma_start3A_364 : memref<40xi32, #tpu.memory_space<vmem>>) semaphore(%arg29 : memref<!tpu.dma_semaphore, #tpu.memory_space<semaphore_mem>>)
      %dma_wait3A_368 = arith.constant 0 : i32
      %dma_wait3A_369 = arith.constant 0 : i32
      %dma_wait3A_370 = tpu.memref_slice %arg24[%dma_wait3A_368, %dma_wait3A_369] : memref<10240x128xf32, #tpu.memory_space<vmem_shared>> -> memref<10240x128xf32, #tpu.memory_space<vmem_shared>>
      tpu.wait_indirect_dma semaphore(%arg35 : memref<!tpu.dma_semaphore, #tpu.memory_space<semaphore_mem>>) src(%arg22 : memref<40x128xf32, #tpu.memory_space<vmem>>) dst(%dma_wait3A_370 : memref<10240x128xf32, #tpu.memory_space<vmem_shared>>)
      %dma_start3A_371 = arith.constant 120 : i32
      %dma_start3A_372 = tpu.memref_slice %arg8[%dma_start3A_371] : memref<200xi32, #tpu.memory_space<vmem>> -> memref<40xi32, #tpu.memory_space<vmem>>
      %dma_start3A_373 = arith.constant 0 : i32
      %dma_start3A_374 = arith.constant 0 : i32
      %dma_start3A_375 = tpu.memref_slice %arg2[%dma_start3A_373, %dma_start3A_374] : memref<270000x128xf32, #tpu.memory_space<hbm>> -> memref<270000x128xf32, #tpu.memory_space<hbm>>
      tpu.enqueue_indirect_dma source(%dma_start3A_375 : memref<270000x128xf32, #tpu.memory_space<hbm>>) target(%arg22 : memref<40x128xf32, #tpu.memory_space<vmem>>) offsets(%dma_start3A_372 : memref<40xi32, #tpu.memory_space<vmem>>) semaphore(%arg30 : memref<!tpu.dma_semaphore, #tpu.memory_space<semaphore_mem>>)
      %dma_wait3A_376 = arith.constant 0 : i32
      %dma_wait3A_377 = arith.constant 0 : i32
      %dma_wait3A_378 = tpu.memref_slice %arg24[%dma_wait3A_376, %dma_wait3A_377] : memref<10240x128xf32, #tpu.memory_space<vmem_shared>> -> memref<10240x128xf32, #tpu.memory_space<vmem_shared>>
      tpu.wait_indirect_dma semaphore(%arg36 : memref<!tpu.dma_semaphore, #tpu.memory_space<semaphore_mem>>) src(%arg23 : memref<40x128xf32, #tpu.memory_space<vmem>>) dst(%dma_wait3A_378 : memref<10240x128xf32, #tpu.memory_space<vmem_shared>>)
      %dma_start3A_379 = arith.constant 160 : i32
      %dma_start3A_380 = tpu.memref_slice %arg8[%dma_start3A_379] : memref<200xi32, #tpu.memory_space<vmem>> -> memref<40xi32, #tpu.memory_space<vmem>>
      %dma_start3A_381 = arith.constant 0 : i32
      %dma_start3A_382 = arith.constant 0 : i32
      %dma_start3A_383 = tpu.memref_slice %arg2[%dma_start3A_381, %dma_start3A_382] : memref<270000x128xf32, #tpu.memory_space<hbm>> -> memref<270000x128xf32, #tpu.memory_space<hbm>>
      tpu.enqueue_indirect_dma source(%dma_start3A_383 : memref<270000x128xf32, #tpu.memory_space<hbm>>) target(%arg23 : memref<40x128xf32, #tpu.memory_space<vmem>>) offsets(%dma_start3A_380 : memref<40xi32, #tpu.memory_space<vmem>>) semaphore(%arg31 : memref<!tpu.dma_semaphore, #tpu.memory_space<semaphore_mem>>)
      %add3A_384 = arith.constant 2 : i32
      %add3A_385 = arith.addi %add3A_279, %add3A_384 : i32
      %mul3A_386 = arith.constant 200 : i32
      %mul3A_387 = arith.muli %add3A_385, %mul3A_386 : i32
      %add3A_388 = arith.addi %mul3A_2, %mul3A_387 : i32
      %dma_start3A_389 = tpu.memref_slice %arg3[%add3A_388] : memref<320000xi32, #tpu.memory_space<hbm>> -> memref<200xi32, #tpu.memory_space<hbm>>
      %dma_start3A_390 = tpu.memref_slice %arg3[%add3A_388] : memref<320000xi32, #tpu.memory_space<hbm>> -> memref<200xi32, #tpu.memory_space<hbm>>
      tpu.enqueue_dma source(%dma_start3A_390 : memref<200xi32, #tpu.memory_space<hbm>>) target(%arg7 : memref<200xi32, #tpu.memory_space<vmem>>) target_semaphore(%arg25 : memref<!tpu.dma_semaphore, #tpu.memory_space<semaphore_mem>>)
      %add3A_391 = arith.constant 0 : i32
      %add3A_392 = arith.addi %add3A_388, %add3A_391 : i32
      %dma_start3A_393 = tpu.memref_slice %arg4[%add3A_392] : memref<320000xi32, #tpu.memory_space<hbm>> -> memref<40xi32, #tpu.memory_space<hbm>>
      %dma_start3A_394 = tpu.memref_slice %arg4[%add3A_392] : memref<320000xi32, #tpu.memory_space<hbm>> -> memref<40xi32, #tpu.memory_space<hbm>>
      tpu.enqueue_dma source(%dma_start3A_394 : memref<40xi32, #tpu.memory_space<hbm>>) target(%arg9 : memref<40xi32, #tpu.memory_space<vmem>>) target_semaphore(%arg25 : memref<!tpu.dma_semaphore, #tpu.memory_space<semaphore_mem>>)
      %add3A_395 = arith.constant 40 : i32
      %add3A_396 = arith.addi %add3A_388, %add3A_395 : i32
      %dma_start3A_397 = tpu.memref_slice %arg4[%add3A_396] : memref<320000xi32, #tpu.memory_space<hbm>> -> memref<40xi32, #tpu.memory_space<hbm>>
      %dma_start3A_398 = tpu.memref_slice %arg4[%add3A_396] : memref<320000xi32, #tpu.memory_space<hbm>> -> memref<40xi32, #tpu.memory_space<hbm>>
      tpu.enqueue_dma source(%dma_start3A_398 : memref<40xi32, #tpu.memory_space<hbm>>) target(%arg10 : memref<40xi32, #tpu.memory_space<vmem>>) target_semaphore(%arg25 : memref<!tpu.dma_semaphore, #tpu.memory_space<semaphore_mem>>)
      %add3A_399 = arith.constant 80 : i32
      %add3A_400 = arith.addi %add3A_388, %add3A_399 : i32
      %dma_start3A_401 = tpu.memref_slice %arg4[%add3A_400] : memref<320000xi32, #tpu.memory_space<hbm>> -> memref<40xi32, #tpu.memory_space<hbm>>
      %dma_start3A_402 = tpu.memref_slice %arg4[%add3A_400] : memref<320000xi32, #tpu.memory_space<hbm>> -> memref<40xi32, #tpu.memory_space<hbm>>
      tpu.enqueue_dma source(%dma_start3A_402 : memref<40xi32, #tpu.memory_space<hbm>>) target(%arg11 : memref<40xi32, #tpu.memory_space<vmem>>) target_semaphore(%arg25 : memref<!tpu.dma_semaphore, #tpu.memory_space<semaphore_mem>>)
      %add3A_403 = arith.constant 120 : i32
      %add3A_404 = arith.addi %add3A_388, %add3A_403 : i32
      %dma_start3A_405 = tpu.memref_slice %arg4[%add3A_404] : memref<320000xi32, #tpu.memory_space<hbm>> -> memref<40xi32, #tpu.memory_space<hbm>>
      %dma_start3A_406 = tpu.memref_slice %arg4[%add3A_404] : memref<320000xi32, #tpu.memory_space<hbm>> -> memref<40xi32, #tpu.memory_space<hbm>>
      tpu.enqueue_dma source(%dma_start3A_406 : memref<40xi32, #tpu.memory_space<hbm>>) target(%arg12 : memref<40xi32, #tpu.memory_space<vmem>>) target_semaphore(%arg25 : memref<!tpu.dma_semaphore, #tpu.memory_space<semaphore_mem>>)
      %add3A_407 = arith.constant 160 : i32
      %add3A_408 = arith.addi %add3A_388, %add3A_407 : i32
      %dma_start3A_409 = tpu.memref_slice %arg4[%add3A_408] : memref<320000xi32, #tpu.memory_space<hbm>> -> memref<40xi32, #tpu.memory_space<hbm>>
      %dma_start3A_410 = tpu.memref_slice %arg4[%add3A_408] : memref<320000xi32, #tpu.memory_space<hbm>> -> memref<40xi32, #tpu.memory_space<hbm>>
      tpu.enqueue_dma source(%dma_start3A_410 : memref<40xi32, #tpu.memory_space<hbm>>) target(%arg13 : memref<40xi32, #tpu.memory_space<vmem>>) target_semaphore(%arg25 : memref<!tpu.dma_semaphore, #tpu.memory_space<semaphore_mem>>)
      %mul3A_411 = arith.constant 2 : i32
      %mul3A_412 = arith.muli %mul3A_411, %scan3A_275 : i32
      %add3A_413 = arith.constant 1 : i32
      %add3A_414 = arith.addi %mul3A_412, %add3A_413 : i32
      %dma_wait3A_415 = arith.constant 0 : i32
      %dma_wait3A_416 = tpu.memref_slice %arg8[%dma_wait3A_415] : memref<200xi32, #tpu.memory_space<vmem>> -> memref<40xi32, #tpu.memory_space<vmem>>
      %dma_wait3A_417 = arith.constant 0 : i32
      %dma_wait3A_418 = arith.constant 0 : i32
      %dma_wait3A_419 = tpu.memref_slice %arg2[%dma_wait3A_417, %dma_wait3A_418] : memref<270000x128xf32, #tpu.memory_space<hbm>> -> memref<270000x128xf32, #tpu.memory_space<hbm>>
      tpu.wait_indirect_dma semaphore(%arg27 : memref<!tpu.dma_semaphore, #tpu.memory_space<semaphore_mem>>) src(%dma_wait3A_419 : memref<270000x128xf32, #tpu.memory_space<hbm>>) dst(%arg19 : memref<40x128xf32, #tpu.memory_space<vmem>>)
      %dma_start3A_420 = arith.constant 0 : i32
      %dma_start3A_421 = arith.constant 0 : i32
      %dma_start3A_422 = tpu.memref_slice %arg24[%dma_start3A_420, %dma_start3A_421] : memref<10240x128xf32, #tpu.memory_space<vmem_shared>> -> memref<10240x128xf32, #tpu.memory_space<vmem_shared>>
      tpu.enqueue_indirect_dma source(%arg19 : memref<40x128xf32, #tpu.memory_space<vmem>>) target(%dma_start3A_422 : memref<10240x128xf32, #tpu.memory_space<vmem_shared>>) offsets(%arg14 : memref<40xi32, #tpu.memory_space<vmem>>) semaphore(%arg32 : memref<!tpu.dma_semaphore, #tpu.memory_space<semaphore_mem>>) {add = true}
      %dma_wait3A_423 = arith.constant 40 : i32
      %dma_wait3A_424 = tpu.memref_slice %arg8[%dma_wait3A_423] : memref<200xi32, #tpu.memory_space<vmem>> -> memref<40xi32, #tpu.memory_space<vmem>>
      %dma_wait3A_425 = arith.constant 0 : i32
      %dma_wait3A_426 = arith.constant 0 : i32
      %dma_wait3A_427 = tpu.memref_slice %arg2[%dma_wait3A_425, %dma_wait3A_426] : memref<270000x128xf32, #tpu.memory_space<hbm>> -> memref<270000x128xf32, #tpu.memory_space<hbm>>
      tpu.wait_indirect_dma semaphore(%arg28 : memref<!tpu.dma_semaphore, #tpu.memory_space<semaphore_mem>>) src(%dma_wait3A_427 : memref<270000x128xf32, #tpu.memory_space<hbm>>) dst(%arg20 : memref<40x128xf32, #tpu.memory_space<vmem>>)
      %dma_start3A_428 = arith.constant 0 : i32
      %dma_start3A_429 = arith.constant 0 : i32
      %dma_start3A_430 = tpu.memref_slice %arg24[%dma_start3A_428, %dma_start3A_429] : memref<10240x128xf32, #tpu.memory_space<vmem_shared>> -> memref<10240x128xf32, #tpu.memory_space<vmem_shared>>
      tpu.enqueue_indirect_dma source(%arg20 : memref<40x128xf32, #tpu.memory_space<vmem>>) target(%dma_start3A_430 : memref<10240x128xf32, #tpu.memory_space<vmem_shared>>) offsets(%arg15 : memref<40xi32, #tpu.memory_space<vmem>>) semaphore(%arg33 : memref<!tpu.dma_semaphore, #tpu.memory_space<semaphore_mem>>) {add = true}
      %dma_wait3A_431 = arith.constant 80 : i32
      %dma_wait3A_432 = tpu.memref_slice %arg8[%dma_wait3A_431] : memref<200xi32, #tpu.memory_space<vmem>> -> memref<40xi32, #tpu.memory_space<vmem>>
      %dma_wait3A_433 = arith.constant 0 : i32
      %dma_wait3A_434 = arith.constant 0 : i32
      %dma_wait3A_435 = tpu.memref_slice %arg2[%dma_wait3A_433, %dma_wait3A_434] : memref<270000x128xf32, #tpu.memory_space<hbm>> -> memref<270000x128xf32, #tpu.memory_space<hbm>>
      tpu.wait_indirect_dma semaphore(%arg29 : memref<!tpu.dma_semaphore, #tpu.memory_space<semaphore_mem>>) src(%dma_wait3A_435 : memref<270000x128xf32, #tpu.memory_space<hbm>>) dst(%arg21 : memref<40x128xf32, #tpu.memory_space<vmem>>)
      %dma_start3A_436 = arith.constant 0 : i32
      %dma_start3A_437 = arith.constant 0 : i32
      %dma_start3A_438 = tpu.memref_slice %arg24[%dma_start3A_436, %dma_start3A_437] : memref<10240x128xf32, #tpu.memory_space<vmem_shared>> -> memref<10240x128xf32, #tpu.memory_space<vmem_shared>>
      tpu.enqueue_indirect_dma source(%arg21 : memref<40x128xf32, #tpu.memory_space<vmem>>) target(%dma_start3A_438 : memref<10240x128xf32, #tpu.memory_space<vmem_shared>>) offsets(%arg16 : memref<40xi32, #tpu.memory_space<vmem>>) semaphore(%arg34 : memref<!tpu.dma_semaphore, #tpu.memory_space<semaphore_mem>>) {add = true}
      %dma_wait3A_439 = arith.constant 120 : i32
      %dma_wait3A_440 = tpu.memref_slice %arg8[%dma_wait3A_439] : memref<200xi32, #tpu.memory_space<vmem>> -> memref<40xi32, #tpu.memory_space<vmem>>
      %dma_wait3A_441 = arith.constant 0 : i32
      %dma_wait3A_442 = arith.constant 0 : i32
      %dma_wait3A_443 = tpu.memref_slice %arg2[%dma_wait3A_441, %dma_wait3A_442] : memref<270000x128xf32, #tpu.memory_space<hbm>> -> memref<270000x128xf32, #tpu.memory_space<hbm>>
      tpu.wait_indirect_dma semaphore(%arg30 : memref<!tpu.dma_semaphore, #tpu.memory_space<semaphore_mem>>) src(%dma_wait3A_443 : memref<270000x128xf32, #tpu.memory_space<hbm>>) dst(%arg22 : memref<40x128xf32, #tpu.memory_space<vmem>>)
      %dma_start3A_444 = arith.constant 0 : i32
      %dma_start3A_445 = arith.constant 0 : i32
      %dma_start3A_446 = tpu.memref_slice %arg24[%dma_start3A_444, %dma_start3A_445] : memref<10240x128xf32, #tpu.memory_space<vmem_shared>> -> memref<10240x128xf32, #tpu.memory_space<vmem_shared>>
      tpu.enqueue_indirect_dma source(%arg22 : memref<40x128xf32, #tpu.memory_space<vmem>>) target(%dma_start3A_446 : memref<10240x128xf32, #tpu.memory_space<vmem_shared>>) offsets(%arg17 : memref<40xi32, #tpu.memory_space<vmem>>) semaphore(%arg35 : memref<!tpu.dma_semaphore, #tpu.memory_space<semaphore_mem>>) {add = true}
      %dma_wait3A_447 = arith.constant 160 : i32
      %dma_wait3A_448 = tpu.memref_slice %arg8[%dma_wait3A_447] : memref<200xi32, #tpu.memory_space<vmem>> -> memref<40xi32, #tpu.memory_space<vmem>>
      %dma_wait3A_449 = arith.constant 0 : i32
      %dma_wait3A_450 = arith.constant 0 : i32
      %dma_wait3A_451 = tpu.memref_slice %arg2[%dma_wait3A_449, %dma_wait3A_450] : memref<270000x128xf32, #tpu.memory_space<hbm>> -> memref<270000x128xf32, #tpu.memory_space<hbm>>
      tpu.wait_indirect_dma semaphore(%arg31 : memref<!tpu.dma_semaphore, #tpu.memory_space<semaphore_mem>>) src(%dma_wait3A_451 : memref<270000x128xf32, #tpu.memory_space<hbm>>) dst(%arg23 : memref<40x128xf32, #tpu.memory_space<vmem>>)
      %dma_start3A_452 = arith.constant 0 : i32
      %dma_start3A_453 = arith.constant 0 : i32
      %dma_start3A_454 = tpu.memref_slice %arg24[%dma_start3A_452, %dma_start3A_453] : memref<10240x128xf32, #tpu.memory_space<vmem_shared>> -> memref<10240x128xf32, #tpu.memory_space<vmem_shared>>
      tpu.enqueue_indirect_dma source(%arg23 : memref<40x128xf32, #tpu.memory_space<vmem>>) target(%dma_start3A_454 : memref<10240x128xf32, #tpu.memory_space<vmem_shared>>) offsets(%arg18 : memref<40xi32, #tpu.memory_space<vmem>>) semaphore(%arg36 : memref<!tpu.dma_semaphore, #tpu.memory_space<semaphore_mem>>) {add = true}
      %dma_wait3A_455 = arith.constant 0 : i32
      %dma_wait3A_456 = tpu.memref_slice %arg3[%dma_wait3A_455] : memref<320000xi32, #tpu.memory_space<hbm>> -> memref<200xi32, #tpu.memory_space<hbm>>
      %dma_wait3A_457 = arith.constant 0 : i32
      %dma_wait3A_458 = tpu.memref_slice %arg3[%dma_wait3A_457] : memref<320000xi32, #tpu.memory_space<hbm>> -> memref<200xi32, #tpu.memory_space<hbm>>
      tpu.wait_dma2 semaphore(%arg25 : memref<!tpu.dma_semaphore, #tpu.memory_space<semaphore_mem>>) src(%dma_wait3A_458 : memref<200xi32, #tpu.memory_space<hbm>>) dst(%arg7 : memref<200xi32, #tpu.memory_space<vmem>>)
      %dma_wait3A_459 = arith.constant 0 : i32
      %dma_wait3A_460 = tpu.memref_slice %arg4[%dma_wait3A_459] : memref<320000xi32, #tpu.memory_space<hbm>> -> memref<40xi32, #tpu.memory_space<hbm>>
      %dma_wait3A_461 = arith.constant 0 : i32
      %dma_wait3A_462 = tpu.memref_slice %arg4[%dma_wait3A_461] : memref<320000xi32, #tpu.memory_space<hbm>> -> memref<40xi32, #tpu.memory_space<hbm>>
      tpu.wait_dma2 semaphore(%arg25 : memref<!tpu.dma_semaphore, #tpu.memory_space<semaphore_mem>>) src(%dma_wait3A_462 : memref<40xi32, #tpu.memory_space<hbm>>) dst(%arg9 : memref<40xi32, #tpu.memory_space<vmem>>)
      %dma_wait3A_463 = arith.constant 0 : i32
      %dma_wait3A_464 = tpu.memref_slice %arg4[%dma_wait3A_463] : memref<320000xi32, #tpu.memory_space<hbm>> -> memref<40xi32, #tpu.memory_space<hbm>>
      %dma_wait3A_465 = arith.constant 0 : i32
      %dma_wait3A_466 = tpu.memref_slice %arg4[%dma_wait3A_465] : memref<320000xi32, #tpu.memory_space<hbm>> -> memref<40xi32, #tpu.memory_space<hbm>>
      tpu.wait_dma2 semaphore(%arg25 : memref<!tpu.dma_semaphore, #tpu.memory_space<semaphore_mem>>) src(%dma_wait3A_466 : memref<40xi32, #tpu.memory_space<hbm>>) dst(%arg10 : memref<40xi32, #tpu.memory_space<vmem>>)
      %dma_wait3A_467 = arith.constant 0 : i32
      %dma_wait3A_468 = tpu.memref_slice %arg4[%dma_wait3A_467] : memref<320000xi32, #tpu.memory_space<hbm>> -> memref<40xi32, #tpu.memory_space<hbm>>
      %dma_wait3A_469 = arith.constant 0 : i32
      %dma_wait3A_470 = tpu.memref_slice %arg4[%dma_wait3A_469] : memref<320000xi32, #tpu.memory_space<hbm>> -> memref<40xi32, #tpu.memory_space<hbm>>
      tpu.wait_dma2 semaphore(%arg25 : memref<!tpu.dma_semaphore, #tpu.memory_space<semaphore_mem>>) src(%dma_wait3A_470 : memref<40xi32, #tpu.memory_space<hbm>>) dst(%arg11 : memref<40xi32, #tpu.memory_space<vmem>>)
      %dma_wait3A_471 = arith.constant 0 : i32
      %dma_wait3A_472 = tpu.memref_slice %arg4[%dma_wait3A_471] : memref<320000xi32, #tpu.memory_space<hbm>> -> memref<40xi32, #tpu.memory_space<hbm>>
      %dma_wait3A_473 = arith.constant 0 : i32
      %dma_wait3A_474 = tpu.memref_slice %arg4[%dma_wait3A_473] : memref<320000xi32, #tpu.memory_space<hbm>> -> memref<40xi32, #tpu.memory_space<hbm>>
      tpu.wait_dma2 semaphore(%arg25 : memref<!tpu.dma_semaphore, #tpu.memory_space<semaphore_mem>>) src(%dma_wait3A_474 : memref<40xi32, #tpu.memory_space<hbm>>) dst(%arg12 : memref<40xi32, #tpu.memory_space<vmem>>)
      %dma_wait3A_475 = arith.constant 0 : i32
      %dma_wait3A_476 = tpu.memref_slice %arg4[%dma_wait3A_475] : memref<320000xi32, #tpu.memory_space<hbm>> -> memref<40xi32, #tpu.memory_space<hbm>>
      %dma_wait3A_477 = arith.constant 0 : i32
      %dma_wait3A_478 = tpu.memref_slice %arg4[%dma_wait3A_477] : memref<320000xi32, #tpu.memory_space<hbm>> -> memref<40xi32, #tpu.memory_space<hbm>>
      tpu.wait_dma2 semaphore(%arg25 : memref<!tpu.dma_semaphore, #tpu.memory_space<semaphore_mem>>) src(%dma_wait3A_478 : memref<40xi32, #tpu.memory_space<hbm>>) dst(%arg13 : memref<40xi32, #tpu.memory_space<vmem>>)
      %dma_wait3A_479 = arith.constant 0 : i32
      %dma_wait3A_480 = arith.constant 0 : i32
      %dma_wait3A_481 = tpu.memref_slice %arg24[%dma_wait3A_479, %dma_wait3A_480] : memref<10240x128xf32, #tpu.memory_space<vmem_shared>> -> memref<10240x128xf32, #tpu.memory_space<vmem_shared>>
      tpu.wait_indirect_dma semaphore(%arg32 : memref<!tpu.dma_semaphore, #tpu.memory_space<semaphore_mem>>) src(%arg19 : memref<40x128xf32, #tpu.memory_space<vmem>>) dst(%dma_wait3A_481 : memref<10240x128xf32, #tpu.memory_space<vmem_shared>>)
      %dma_start3A_482 = arith.constant 0 : i32
      %dma_start3A_483 = tpu.memref_slice %arg7[%dma_start3A_482] : memref<200xi32, #tpu.memory_space<vmem>> -> memref<40xi32, #tpu.memory_space<vmem>>
      %dma_start3A_484 = arith.constant 0 : i32
      %dma_start3A_485 = arith.constant 0 : i32
      %dma_start3A_486 = tpu.memref_slice %arg2[%dma_start3A_484, %dma_start3A_485] : memref<270000x128xf32, #tpu.memory_space<hbm>> -> memref<270000x128xf32, #tpu.memory_space<hbm>>
      tpu.enqueue_indirect_dma source(%dma_start3A_486 : memref<270000x128xf32, #tpu.memory_space<hbm>>) target(%arg19 : memref<40x128xf32, #tpu.memory_space<vmem>>) offsets(%dma_start3A_483 : memref<40xi32, #tpu.memory_space<vmem>>) semaphore(%arg27 : memref<!tpu.dma_semaphore, #tpu.memory_space<semaphore_mem>>)
      %dma_wait3A_487 = arith.constant 0 : i32
      %dma_wait3A_488 = arith.constant 0 : i32
      %dma_wait3A_489 = tpu.memref_slice %arg24[%dma_wait3A_487, %dma_wait3A_488] : memref<10240x128xf32, #tpu.memory_space<vmem_shared>> -> memref<10240x128xf32, #tpu.memory_space<vmem_shared>>
      tpu.wait_indirect_dma semaphore(%arg33 : memref<!tpu.dma_semaphore, #tpu.memory_space<semaphore_mem>>) src(%arg20 : memref<40x128xf32, #tpu.memory_space<vmem>>) dst(%dma_wait3A_489 : memref<10240x128xf32, #tpu.memory_space<vmem_shared>>)
      %dma_start3A_490 = arith.constant 40 : i32
      %dma_start3A_491 = tpu.memref_slice %arg7[%dma_start3A_490] : memref<200xi32, #tpu.memory_space<vmem>> -> memref<40xi32, #tpu.memory_space<vmem>>
      %dma_start3A_492 = arith.constant 0 : i32
      %dma_start3A_493 = arith.constant 0 : i32
      %dma_start3A_494 = tpu.memref_slice %arg2[%dma_start3A_492, %dma_start3A_493] : memref<270000x128xf32, #tpu.memory_space<hbm>> -> memref<270000x128xf32, #tpu.memory_space<hbm>>
      tpu.enqueue_indirect_dma source(%dma_start3A_494 : memref<270000x128xf32, #tpu.memory_space<hbm>>) target(%arg20 : memref<40x128xf32, #tpu.memory_space<vmem>>) offsets(%dma_start3A_491 : memref<40xi32, #tpu.memory_space<vmem>>) semaphore(%arg28 : memref<!tpu.dma_semaphore, #tpu.memory_space<semaphore_mem>>)
      %dma_wait3A_495 = arith.constant 0 : i32
      %dma_wait3A_496 = arith.constant 0 : i32
      %dma_wait3A_497 = tpu.memref_slice %arg24[%dma_wait3A_495, %dma_wait3A_496] : memref<10240x128xf32, #tpu.memory_space<vmem_shared>> -> memref<10240x128xf32, #tpu.memory_space<vmem_shared>>
      tpu.wait_indirect_dma semaphore(%arg34 : memref<!tpu.dma_semaphore, #tpu.memory_space<semaphore_mem>>) src(%arg21 : memref<40x128xf32, #tpu.memory_space<vmem>>) dst(%dma_wait3A_497 : memref<10240x128xf32, #tpu.memory_space<vmem_shared>>)
      %dma_start3A_498 = arith.constant 80 : i32
      %dma_start3A_499 = tpu.memref_slice %arg7[%dma_start3A_498] : memref<200xi32, #tpu.memory_space<vmem>> -> memref<40xi32, #tpu.memory_space<vmem>>
      %dma_start3A_500 = arith.constant 0 : i32
      %dma_start3A_501 = arith.constant 0 : i32
      %dma_start3A_502 = tpu.memref_slice %arg2[%dma_start3A_500, %dma_start3A_501] : memref<270000x128xf32, #tpu.memory_space<hbm>> -> memref<270000x128xf32, #tpu.memory_space<hbm>>
      tpu.enqueue_indirect_dma source(%dma_start3A_502 : memref<270000x128xf32, #tpu.memory_space<hbm>>) target(%arg21 : memref<40x128xf32, #tpu.memory_space<vmem>>) offsets(%dma_start3A_499 : memref<40xi32, #tpu.memory_space<vmem>>) semaphore(%arg29 : memref<!tpu.dma_semaphore, #tpu.memory_space<semaphore_mem>>)
      %dma_wait3A_503 = arith.constant 0 : i32
      %dma_wait3A_504 = arith.constant 0 : i32
      %dma_wait3A_505 = tpu.memref_slice %arg24[%dma_wait3A_503, %dma_wait3A_504] : memref<10240x128xf32, #tpu.memory_space<vmem_shared>> -> memref<10240x128xf32, #tpu.memory_space<vmem_shared>>
      tpu.wait_indirect_dma semaphore(%arg35 : memref<!tpu.dma_semaphore, #tpu.memory_space<semaphore_mem>>) src(%arg22 : memref<40x128xf32, #tpu.memory_space<vmem>>) dst(%dma_wait3A_505 : memref<10240x128xf32, #tpu.memory_space<vmem_shared>>)
      %dma_start3A_506 = arith.constant 120 : i32
      %dma_start3A_507 = tpu.memref_slice %arg7[%dma_start3A_506] : memref<200xi32, #tpu.memory_space<vmem>> -> memref<40xi32, #tpu.memory_space<vmem>>
      %dma_start3A_508 = arith.constant 0 : i32
      %dma_start3A_509 = arith.constant 0 : i32
      %dma_start3A_510 = tpu.memref_slice %arg2[%dma_start3A_508, %dma_start3A_509] : memref<270000x128xf32, #tpu.memory_space<hbm>> -> memref<270000x128xf32, #tpu.memory_space<hbm>>
      tpu.enqueue_indirect_dma source(%dma_start3A_510 : memref<270000x128xf32, #tpu.memory_space<hbm>>) target(%arg22 : memref<40x128xf32, #tpu.memory_space<vmem>>) offsets(%dma_start3A_507 : memref<40xi32, #tpu.memory_space<vmem>>) semaphore(%arg30 : memref<!tpu.dma_semaphore, #tpu.memory_space<semaphore_mem>>)
      %dma_wait3A_511 = arith.constant 0 : i32
      %dma_wait3A_512 = arith.constant 0 : i32
      %dma_wait3A_513 = tpu.memref_slice %arg24[%dma_wait3A_511, %dma_wait3A_512] : memref<10240x128xf32, #tpu.memory_space<vmem_shared>> -> memref<10240x128xf32, #tpu.memory_space<vmem_shared>>
      tpu.wait_indirect_dma semaphore(%arg36 : memref<!tpu.dma_semaphore, #tpu.memory_space<semaphore_mem>>) src(%arg23 : memref<40x128xf32, #tpu.memory_space<vmem>>) dst(%dma_wait3A_513 : memref<10240x128xf32, #tpu.memory_space<vmem_shared>>)
      %dma_start3A_514 = arith.constant 160 : i32
      %dma_start3A_515 = tpu.memref_slice %arg7[%dma_start3A_514] : memref<200xi32, #tpu.memory_space<vmem>> -> memref<40xi32, #tpu.memory_space<vmem>>
      %dma_start3A_516 = arith.constant 0 : i32
      %dma_start3A_517 = arith.constant 0 : i32
      %dma_start3A_518 = tpu.memref_slice %arg2[%dma_start3A_516, %dma_start3A_517] : memref<270000x128xf32, #tpu.memory_space<hbm>> -> memref<270000x128xf32, #tpu.memory_space<hbm>>
      tpu.enqueue_indirect_dma source(%dma_start3A_518 : memref<270000x128xf32, #tpu.memory_space<hbm>>) target(%arg23 : memref<40x128xf32, #tpu.memory_space<vmem>>) offsets(%dma_start3A_515 : memref<40xi32, #tpu.memory_space<vmem>>) semaphore(%arg31 : memref<!tpu.dma_semaphore, #tpu.memory_space<semaphore_mem>>)
      %add3A_519 = arith.constant 2 : i32
      %add3A_520 = arith.addi %add3A_414, %add3A_519 : i32
      %mul3A_521 = arith.constant 200 : i32
      %mul3A_522 = arith.muli %add3A_520, %mul3A_521 : i32
      %add3A_523 = arith.addi %mul3A_2, %mul3A_522 : i32
      %dma_start3A_524 = tpu.memref_slice %arg3[%add3A_523] : memref<320000xi32, #tpu.memory_space<hbm>> -> memref<200xi32, #tpu.memory_space<hbm>>
      %dma_start3A_525 = tpu.memref_slice %arg3[%add3A_523] : memref<320000xi32, #tpu.memory_space<hbm>> -> memref<200xi32, #tpu.memory_space<hbm>>
      tpu.enqueue_dma source(%dma_start3A_525 : memref<200xi32, #tpu.memory_space<hbm>>) target(%arg8 : memref<200xi32, #tpu.memory_space<vmem>>) target_semaphore(%arg26 : memref<!tpu.dma_semaphore, #tpu.memory_space<semaphore_mem>>)
      %add3A_526 = arith.constant 0 : i32
      %add3A_527 = arith.addi %add3A_523, %add3A_526 : i32
      %dma_start3A_528 = tpu.memref_slice %arg4[%add3A_527] : memref<320000xi32, #tpu.memory_space<hbm>> -> memref<40xi32, #tpu.memory_space<hbm>>
      %dma_start3A_529 = tpu.memref_slice %arg4[%add3A_527] : memref<320000xi32, #tpu.memory_space<hbm>> -> memref<40xi32, #tpu.memory_space<hbm>>
      tpu.enqueue_dma source(%dma_start3A_529 : memref<40xi32, #tpu.memory_space<hbm>>) target(%arg14 : memref<40xi32, #tpu.memory_space<vmem>>) target_semaphore(%arg26 : memref<!tpu.dma_semaphore, #tpu.memory_space<semaphore_mem>>)
      %add3A_530 = arith.constant 40 : i32
      %add3A_531 = arith.addi %add3A_523, %add3A_530 : i32
      %dma_start3A_532 = tpu.memref_slice %arg4[%add3A_531] : memref<320000xi32, #tpu.memory_space<hbm>> -> memref<40xi32, #tpu.memory_space<hbm>>
      %dma_start3A_533 = tpu.memref_slice %arg4[%add3A_531] : memref<320000xi32, #tpu.memory_space<hbm>> -> memref<40xi32, #tpu.memory_space<hbm>>
      tpu.enqueue_dma source(%dma_start3A_533 : memref<40xi32, #tpu.memory_space<hbm>>) target(%arg15 : memref<40xi32, #tpu.memory_space<vmem>>) target_semaphore(%arg26 : memref<!tpu.dma_semaphore, #tpu.memory_space<semaphore_mem>>)
      %add3A_534 = arith.constant 80 : i32
      %add3A_535 = arith.addi %add3A_523, %add3A_534 : i32
      %dma_start3A_536 = tpu.memref_slice %arg4[%add3A_535] : memref<320000xi32, #tpu.memory_space<hbm>> -> memref<40xi32, #tpu.memory_space<hbm>>
      %dma_start3A_537 = tpu.memref_slice %arg4[%add3A_535] : memref<320000xi32, #tpu.memory_space<hbm>> -> memref<40xi32, #tpu.memory_space<hbm>>
      tpu.enqueue_dma source(%dma_start3A_537 : memref<40xi32, #tpu.memory_space<hbm>>) target(%arg16 : memref<40xi32, #tpu.memory_space<vmem>>) target_semaphore(%arg26 : memref<!tpu.dma_semaphore, #tpu.memory_space<semaphore_mem>>)
      %add3A_538 = arith.constant 120 : i32
      %add3A_539 = arith.addi %add3A_523, %add3A_538 : i32
      %dma_start3A_540 = tpu.memref_slice %arg4[%add3A_539] : memref<320000xi32, #tpu.memory_space<hbm>> -> memref<40xi32, #tpu.memory_space<hbm>>
      %dma_start3A_541 = tpu.memref_slice %arg4[%add3A_539] : memref<320000xi32, #tpu.memory_space<hbm>> -> memref<40xi32, #tpu.memory_space<hbm>>
      tpu.enqueue_dma source(%dma_start3A_541 : memref<40xi32, #tpu.memory_space<hbm>>) target(%arg17 : memref<40xi32, #tpu.memory_space<vmem>>) target_semaphore(%arg26 : memref<!tpu.dma_semaphore, #tpu.memory_space<semaphore_mem>>)
      %add3A_542 = arith.constant 160 : i32
      %add3A_543 = arith.addi %add3A_523, %add3A_542 : i32
      %dma_start3A_544 = tpu.memref_slice %arg4[%add3A_543] : memref<320000xi32, #tpu.memory_space<hbm>> -> memref<40xi32, #tpu.memory_space<hbm>>
      %dma_start3A_545 = tpu.memref_slice %arg4[%add3A_543] : memref<320000xi32, #tpu.memory_space<hbm>> -> memref<40xi32, #tpu.memory_space<hbm>>
      tpu.enqueue_dma source(%dma_start3A_545 : memref<40xi32, #tpu.memory_space<hbm>>) target(%arg18 : memref<40xi32, #tpu.memory_space<vmem>>) target_semaphore(%arg26 : memref<!tpu.dma_semaphore, #tpu.memory_space<semaphore_mem>>)
    }
    %scan3A_110 = arith.constant 24 : i32
    %dma_wait3A_111 = arith.constant 0 : i32
    %dma_wait3A_112 = tpu.memref_slice %arg7[%dma_wait3A_111] : memref<200xi32, #tpu.memory_space<vmem>> -> memref<40xi32, #tpu.memory_space<vmem>>
    %dma_wait3A_113 = arith.constant 0 : i32
    %dma_wait3A_114 = arith.constant 0 : i32
    %dma_wait3A_115 = tpu.memref_slice %arg2[%dma_wait3A_113, %dma_wait3A_114] : memref<270000x128xf32, #tpu.memory_space<hbm>> -> memref<270000x128xf32, #tpu.memory_space<hbm>>
    tpu.wait_indirect_dma semaphore(%arg27 : memref<!tpu.dma_semaphore, #tpu.memory_space<semaphore_mem>>) src(%dma_wait3A_115 : memref<270000x128xf32, #tpu.memory_space<hbm>>) dst(%arg19 : memref<40x128xf32, #tpu.memory_space<vmem>>)
    %dma_start3A_116 = arith.constant 0 : i32
    %dma_start3A_117 = arith.constant 0 : i32
    %dma_start3A_118 = tpu.memref_slice %arg24[%dma_start3A_116, %dma_start3A_117] : memref<10240x128xf32, #tpu.memory_space<vmem_shared>> -> memref<10240x128xf32, #tpu.memory_space<vmem_shared>>
    tpu.enqueue_indirect_dma source(%arg19 : memref<40x128xf32, #tpu.memory_space<vmem>>) target(%dma_start3A_118 : memref<10240x128xf32, #tpu.memory_space<vmem_shared>>) offsets(%arg9 : memref<40xi32, #tpu.memory_space<vmem>>) semaphore(%arg32 : memref<!tpu.dma_semaphore, #tpu.memory_space<semaphore_mem>>) {add = true}
    %dma_wait3A_119 = arith.constant 40 : i32
    %dma_wait3A_120 = tpu.memref_slice %arg7[%dma_wait3A_119] : memref<200xi32, #tpu.memory_space<vmem>> -> memref<40xi32, #tpu.memory_space<vmem>>
    %dma_wait3A_121 = arith.constant 0 : i32
    %dma_wait3A_122 = arith.constant 0 : i32
    %dma_wait3A_123 = tpu.memref_slice %arg2[%dma_wait3A_121, %dma_wait3A_122] : memref<270000x128xf32, #tpu.memory_space<hbm>> -> memref<270000x128xf32, #tpu.memory_space<hbm>>
    tpu.wait_indirect_dma semaphore(%arg28 : memref<!tpu.dma_semaphore, #tpu.memory_space<semaphore_mem>>) src(%dma_wait3A_123 : memref<270000x128xf32, #tpu.memory_space<hbm>>) dst(%arg20 : memref<40x128xf32, #tpu.memory_space<vmem>>)
    %dma_start3A_124 = arith.constant 0 : i32
    %dma_start3A_125 = arith.constant 0 : i32
    %dma_start3A_126 = tpu.memref_slice %arg24[%dma_start3A_124, %dma_start3A_125] : memref<10240x128xf32, #tpu.memory_space<vmem_shared>> -> memref<10240x128xf32, #tpu.memory_space<vmem_shared>>
    tpu.enqueue_indirect_dma source(%arg20 : memref<40x128xf32, #tpu.memory_space<vmem>>) target(%dma_start3A_126 : memref<10240x128xf32, #tpu.memory_space<vmem_shared>>) offsets(%arg10 : memref<40xi32, #tpu.memory_space<vmem>>) semaphore(%arg33 : memref<!tpu.dma_semaphore, #tpu.memory_space<semaphore_mem>>) {add = true}
    %dma_wait3A_127 = arith.constant 80 : i32
    %dma_wait3A_128 = tpu.memref_slice %arg7[%dma_wait3A_127] : memref<200xi32, #tpu.memory_space<vmem>> -> memref<40xi32, #tpu.memory_space<vmem>>
    %dma_wait3A_129 = arith.constant 0 : i32
    %dma_wait3A_130 = arith.constant 0 : i32
    %dma_wait3A_131 = tpu.memref_slice %arg2[%dma_wait3A_129, %dma_wait3A_130] : memref<270000x128xf32, #tpu.memory_space<hbm>> -> memref<270000x128xf32, #tpu.memory_space<hbm>>
    tpu.wait_indirect_dma semaphore(%arg29 : memref<!tpu.dma_semaphore, #tpu.memory_space<semaphore_mem>>) src(%dma_wait3A_131 : memref<270000x128xf32, #tpu.memory_space<hbm>>) dst(%arg21 : memref<40x128xf32, #tpu.memory_space<vmem>>)
    %dma_start3A_132 = arith.constant 0 : i32
    %dma_start3A_133 = arith.constant 0 : i32
    %dma_start3A_134 = tpu.memref_slice %arg24[%dma_start3A_132, %dma_start3A_133] : memref<10240x128xf32, #tpu.memory_space<vmem_shared>> -> memref<10240x128xf32, #tpu.memory_space<vmem_shared>>
    tpu.enqueue_indirect_dma source(%arg21 : memref<40x128xf32, #tpu.memory_space<vmem>>) target(%dma_start3A_134 : memref<10240x128xf32, #tpu.memory_space<vmem_shared>>) offsets(%arg11 : memref<40xi32, #tpu.memory_space<vmem>>) semaphore(%arg34 : memref<!tpu.dma_semaphore, #tpu.memory_space<semaphore_mem>>) {add = true}
    %dma_wait3A_135 = arith.constant 120 : i32
    %dma_wait3A_136 = tpu.memref_slice %arg7[%dma_wait3A_135] : memref<200xi32, #tpu.memory_space<vmem>> -> memref<40xi32, #tpu.memory_space<vmem>>
    %dma_wait3A_137 = arith.constant 0 : i32
    %dma_wait3A_138 = arith.constant 0 : i32
    %dma_wait3A_139 = tpu.memref_slice %arg2[%dma_wait3A_137, %dma_wait3A_138] : memref<270000x128xf32, #tpu.memory_space<hbm>> -> memref<270000x128xf32, #tpu.memory_space<hbm>>
    tpu.wait_indirect_dma semaphore(%arg30 : memref<!tpu.dma_semaphore, #tpu.memory_space<semaphore_mem>>) src(%dma_wait3A_139 : memref<270000x128xf32, #tpu.memory_space<hbm>>) dst(%arg22 : memref<40x128xf32, #tpu.memory_space<vmem>>)
    %dma_start3A_140 = arith.constant 0 : i32
    %dma_start3A_141 = arith.constant 0 : i32
    %dma_start3A_142 = tpu.memref_slice %arg24[%dma_start3A_140, %dma_start3A_141] : memref<10240x128xf32, #tpu.memory_space<vmem_shared>> -> memref<10240x128xf32, #tpu.memory_space<vmem_shared>>
    tpu.enqueue_indirect_dma source(%arg22 : memref<40x128xf32, #tpu.memory_space<vmem>>) target(%dma_start3A_142 : memref<10240x128xf32, #tpu.memory_space<vmem_shared>>) offsets(%arg12 : memref<40xi32, #tpu.memory_space<vmem>>) semaphore(%arg35 : memref<!tpu.dma_semaphore, #tpu.memory_space<semaphore_mem>>) {add = true}
    %dma_wait3A_143 = arith.constant 160 : i32
    %dma_wait3A_144 = tpu.memref_slice %arg7[%dma_wait3A_143] : memref<200xi32, #tpu.memory_space<vmem>> -> memref<40xi32, #tpu.memory_space<vmem>>
    %dma_wait3A_145 = arith.constant 0 : i32
    %dma_wait3A_146 = arith.constant 0 : i32
    %dma_wait3A_147 = tpu.memref_slice %arg2[%dma_wait3A_145, %dma_wait3A_146] : memref<270000x128xf32, #tpu.memory_space<hbm>> -> memref<270000x128xf32, #tpu.memory_space<hbm>>
    tpu.wait_indirect_dma semaphore(%arg31 : memref<!tpu.dma_semaphore, #tpu.memory_space<semaphore_mem>>) src(%dma_wait3A_147 : memref<270000x128xf32, #tpu.memory_space<hbm>>) dst(%arg23 : memref<40x128xf32, #tpu.memory_space<vmem>>)
    %dma_start3A_148 = arith.constant 0 : i32
    %dma_start3A_149 = arith.constant 0 : i32
    %dma_start3A_150 = tpu.memref_slice %arg24[%dma_start3A_148, %dma_start3A_149] : memref<10240x128xf32, #tpu.memory_space<vmem_shared>> -> memref<10240x128xf32, #tpu.memory_space<vmem_shared>>
    tpu.enqueue_indirect_dma source(%arg23 : memref<40x128xf32, #tpu.memory_space<vmem>>) target(%dma_start3A_150 : memref<10240x128xf32, #tpu.memory_space<vmem_shared>>) offsets(%arg13 : memref<40xi32, #tpu.memory_space<vmem>>) semaphore(%arg36 : memref<!tpu.dma_semaphore, #tpu.memory_space<semaphore_mem>>) {add = true}
    %dma_wait3A_151 = arith.constant 0 : i32
    %dma_wait3A_152 = tpu.memref_slice %arg3[%dma_wait3A_151] : memref<320000xi32, #tpu.memory_space<hbm>> -> memref<200xi32, #tpu.memory_space<hbm>>
    %dma_wait3A_153 = arith.constant 0 : i32
    %dma_wait3A_154 = tpu.memref_slice %arg3[%dma_wait3A_153] : memref<320000xi32, #tpu.memory_space<hbm>> -> memref<200xi32, #tpu.memory_space<hbm>>
    tpu.wait_dma2 semaphore(%arg26 : memref<!tpu.dma_semaphore, #tpu.memory_space<semaphore_mem>>) src(%dma_wait3A_154 : memref<200xi32, #tpu.memory_space<hbm>>) dst(%arg8 : memref<200xi32, #tpu.memory_space<vmem>>)
    %dma_wait3A_155 = arith.constant 0 : i32
    %dma_wait3A_156 = tpu.memref_slice %arg4[%dma_wait3A_155] : memref<320000xi32, #tpu.memory_space<hbm>> -> memref<40xi32, #tpu.memory_space<hbm>>
    %dma_wait3A_157 = arith.constant 0 : i32
    %dma_wait3A_158 = tpu.memref_slice %arg4[%dma_wait3A_157] : memref<320000xi32, #tpu.memory_space<hbm>> -> memref<40xi32, #tpu.memory_space<hbm>>
    tpu.wait_dma2 semaphore(%arg26 : memref<!tpu.dma_semaphore, #tpu.memory_space<semaphore_mem>>) src(%dma_wait3A_158 : memref<40xi32, #tpu.memory_space<hbm>>) dst(%arg14 : memref<40xi32, #tpu.memory_space<vmem>>)
    %dma_wait3A_159 = arith.constant 0 : i32
    %dma_wait3A_160 = tpu.memref_slice %arg4[%dma_wait3A_159] : memref<320000xi32, #tpu.memory_space<hbm>> -> memref<40xi32, #tpu.memory_space<hbm>>
    %dma_wait3A_161 = arith.constant 0 : i32
    %dma_wait3A_162 = tpu.memref_slice %arg4[%dma_wait3A_161] : memref<320000xi32, #tpu.memory_space<hbm>> -> memref<40xi32, #tpu.memory_space<hbm>>
    tpu.wait_dma2 semaphore(%arg26 : memref<!tpu.dma_semaphore, #tpu.memory_space<semaphore_mem>>) src(%dma_wait3A_162 : memref<40xi32, #tpu.memory_space<hbm>>) dst(%arg15 : memref<40xi32, #tpu.memory_space<vmem>>)
    %dma_wait3A_163 = arith.constant 0 : i32
    %dma_wait3A_164 = tpu.memref_slice %arg4[%dma_wait3A_163] : memref<320000xi32, #tpu.memory_space<hbm>> -> memref<40xi32, #tpu.memory_space<hbm>>
    %dma_wait3A_165 = arith.constant 0 : i32
    %dma_wait3A_166 = tpu.memref_slice %arg4[%dma_wait3A_165] : memref<320000xi32, #tpu.memory_space<hbm>> -> memref<40xi32, #tpu.memory_space<hbm>>
    tpu.wait_dma2 semaphore(%arg26 : memref<!tpu.dma_semaphore, #tpu.memory_space<semaphore_mem>>) src(%dma_wait3A_166 : memref<40xi32, #tpu.memory_space<hbm>>) dst(%arg16 : memref<40xi32, #tpu.memory_space<vmem>>)
    %dma_wait3A_167 = arith.constant 0 : i32
    %dma_wait3A_168 = tpu.memref_slice %arg4[%dma_wait3A_167] : memref<320000xi32, #tpu.memory_space<hbm>> -> memref<40xi32, #tpu.memory_space<hbm>>
    %dma_wait3A_169 = arith.constant 0 : i32
    %dma_wait3A_170 = tpu.memref_slice %arg4[%dma_wait3A_169] : memref<320000xi32, #tpu.memory_space<hbm>> -> memref<40xi32, #tpu.memory_space<hbm>>
    tpu.wait_dma2 semaphore(%arg26 : memref<!tpu.dma_semaphore, #tpu.memory_space<semaphore_mem>>) src(%dma_wait3A_170 : memref<40xi32, #tpu.memory_space<hbm>>) dst(%arg17 : memref<40xi32, #tpu.memory_space<vmem>>)
    %dma_wait3A_171 = arith.constant 0 : i32
    %dma_wait3A_172 = tpu.memref_slice %arg4[%dma_wait3A_171] : memref<320000xi32, #tpu.memory_space<hbm>> -> memref<40xi32, #tpu.memory_space<hbm>>
    %dma_wait3A_173 = arith.constant 0 : i32
    %dma_wait3A_174 = tpu.memref_slice %arg4[%dma_wait3A_173] : memref<320000xi32, #tpu.memory_space<hbm>> -> memref<40xi32, #tpu.memory_space<hbm>>
    tpu.wait_dma2 semaphore(%arg26 : memref<!tpu.dma_semaphore, #tpu.memory_space<semaphore_mem>>) src(%dma_wait3A_174 : memref<40xi32, #tpu.memory_space<hbm>>) dst(%arg18 : memref<40xi32, #tpu.memory_space<vmem>>)
    %dma_wait3A_175 = arith.constant 0 : i32
    %dma_wait3A_176 = arith.constant 0 : i32
    %dma_wait3A_177 = tpu.memref_slice %arg24[%dma_wait3A_175, %dma_wait3A_176] : memref<10240x128xf32, #tpu.memory_space<vmem_shared>> -> memref<10240x128xf32, #tpu.memory_space<vmem_shared>>
    tpu.wait_indirect_dma semaphore(%arg32 : memref<!tpu.dma_semaphore, #tpu.memory_space<semaphore_mem>>) src(%arg19 : memref<40x128xf32, #tpu.memory_space<vmem>>) dst(%dma_wait3A_177 : memref<10240x128xf32, #tpu.memory_space<vmem_shared>>)
    %dma_start3A_178 = arith.constant 0 : i32
    %dma_start3A_179 = tpu.memref_slice %arg8[%dma_start3A_178] : memref<200xi32, #tpu.memory_space<vmem>> -> memref<40xi32, #tpu.memory_space<vmem>>
    %dma_start3A_180 = arith.constant 0 : i32
    %dma_start3A_181 = arith.constant 0 : i32
    %dma_start3A_182 = tpu.memref_slice %arg2[%dma_start3A_180, %dma_start3A_181] : memref<270000x128xf32, #tpu.memory_space<hbm>> -> memref<270000x128xf32, #tpu.memory_space<hbm>>
    tpu.enqueue_indirect_dma source(%dma_start3A_182 : memref<270000x128xf32, #tpu.memory_space<hbm>>) target(%arg19 : memref<40x128xf32, #tpu.memory_space<vmem>>) offsets(%dma_start3A_179 : memref<40xi32, #tpu.memory_space<vmem>>) semaphore(%arg27 : memref<!tpu.dma_semaphore, #tpu.memory_space<semaphore_mem>>)
    %dma_wait3A_183 = arith.constant 0 : i32
    %dma_wait3A_184 = arith.constant 0 : i32
    %dma_wait3A_185 = tpu.memref_slice %arg24[%dma_wait3A_183, %dma_wait3A_184] : memref<10240x128xf32, #tpu.memory_space<vmem_shared>> -> memref<10240x128xf32, #tpu.memory_space<vmem_shared>>
    tpu.wait_indirect_dma semaphore(%arg33 : memref<!tpu.dma_semaphore, #tpu.memory_space<semaphore_mem>>) src(%arg20 : memref<40x128xf32, #tpu.memory_space<vmem>>) dst(%dma_wait3A_185 : memref<10240x128xf32, #tpu.memory_space<vmem_shared>>)
    %dma_start3A_186 = arith.constant 40 : i32
    %dma_start3A_187 = tpu.memref_slice %arg8[%dma_start3A_186] : memref<200xi32, #tpu.memory_space<vmem>> -> memref<40xi32, #tpu.memory_space<vmem>>
    %dma_start3A_188 = arith.constant 0 : i32
    %dma_start3A_189 = arith.constant 0 : i32
    %dma_start3A_190 = tpu.memref_slice %arg2[%dma_start3A_188, %dma_start3A_189] : memref<270000x128xf32, #tpu.memory_space<hbm>> -> memref<270000x128xf32, #tpu.memory_space<hbm>>
    tpu.enqueue_indirect_dma source(%dma_start3A_190 : memref<270000x128xf32, #tpu.memory_space<hbm>>) target(%arg20 : memref<40x128xf32, #tpu.memory_space<vmem>>) offsets(%dma_start3A_187 : memref<40xi32, #tpu.memory_space<vmem>>) semaphore(%arg28 : memref<!tpu.dma_semaphore, #tpu.memory_space<semaphore_mem>>)
    %dma_wait3A_191 = arith.constant 0 : i32
    %dma_wait3A_192 = arith.constant 0 : i32
    %dma_wait3A_193 = tpu.memref_slice %arg24[%dma_wait3A_191, %dma_wait3A_192] : memref<10240x128xf32, #tpu.memory_space<vmem_shared>> -> memref<10240x128xf32, #tpu.memory_space<vmem_shared>>
    tpu.wait_indirect_dma semaphore(%arg34 : memref<!tpu.dma_semaphore, #tpu.memory_space<semaphore_mem>>) src(%arg21 : memref<40x128xf32, #tpu.memory_space<vmem>>) dst(%dma_wait3A_193 : memref<10240x128xf32, #tpu.memory_space<vmem_shared>>)
    %dma_start3A_194 = arith.constant 80 : i32
    %dma_start3A_195 = tpu.memref_slice %arg8[%dma_start3A_194] : memref<200xi32, #tpu.memory_space<vmem>> -> memref<40xi32, #tpu.memory_space<vmem>>
    %dma_start3A_196 = arith.constant 0 : i32
    %dma_start3A_197 = arith.constant 0 : i32
    %dma_start3A_198 = tpu.memref_slice %arg2[%dma_start3A_196, %dma_start3A_197] : memref<270000x128xf32, #tpu.memory_space<hbm>> -> memref<270000x128xf32, #tpu.memory_space<hbm>>
    tpu.enqueue_indirect_dma source(%dma_start3A_198 : memref<270000x128xf32, #tpu.memory_space<hbm>>) target(%arg21 : memref<40x128xf32, #tpu.memory_space<vmem>>) offsets(%dma_start3A_195 : memref<40xi32, #tpu.memory_space<vmem>>) semaphore(%arg29 : memref<!tpu.dma_semaphore, #tpu.memory_space<semaphore_mem>>)
    %dma_wait3A_199 = arith.constant 0 : i32
    %dma_wait3A_200 = arith.constant 0 : i32
    %dma_wait3A_201 = tpu.memref_slice %arg24[%dma_wait3A_199, %dma_wait3A_200] : memref<10240x128xf32, #tpu.memory_space<vmem_shared>> -> memref<10240x128xf32, #tpu.memory_space<vmem_shared>>
    tpu.wait_indirect_dma semaphore(%arg35 : memref<!tpu.dma_semaphore, #tpu.memory_space<semaphore_mem>>) src(%arg22 : memref<40x128xf32, #tpu.memory_space<vmem>>) dst(%dma_wait3A_201 : memref<10240x128xf32, #tpu.memory_space<vmem_shared>>)
    %dma_start3A_202 = arith.constant 120 : i32
    %dma_start3A_203 = tpu.memref_slice %arg8[%dma_start3A_202] : memref<200xi32, #tpu.memory_space<vmem>> -> memref<40xi32, #tpu.memory_space<vmem>>
    %dma_start3A_204 = arith.constant 0 : i32
    %dma_start3A_205 = arith.constant 0 : i32
    %dma_start3A_206 = tpu.memref_slice %arg2[%dma_start3A_204, %dma_start3A_205] : memref<270000x128xf32, #tpu.memory_space<hbm>> -> memref<270000x128xf32, #tpu.memory_space<hbm>>
    tpu.enqueue_indirect_dma source(%dma_start3A_206 : memref<270000x128xf32, #tpu.memory_space<hbm>>) target(%arg22 : memref<40x128xf32, #tpu.memory_space<vmem>>) offsets(%dma_start3A_203 : memref<40xi32, #tpu.memory_space<vmem>>) semaphore(%arg30 : memref<!tpu.dma_semaphore, #tpu.memory_space<semaphore_mem>>)
    %dma_wait3A_207 = arith.constant 0 : i32
    %dma_wait3A_208 = arith.constant 0 : i32
    %dma_wait3A_209 = tpu.memref_slice %arg24[%dma_wait3A_207, %dma_wait3A_208] : memref<10240x128xf32, #tpu.memory_space<vmem_shared>> -> memref<10240x128xf32, #tpu.memory_space<vmem_shared>>
    tpu.wait_indirect_dma semaphore(%arg36 : memref<!tpu.dma_semaphore, #tpu.memory_space<semaphore_mem>>) src(%arg23 : memref<40x128xf32, #tpu.memory_space<vmem>>) dst(%dma_wait3A_209 : memref<10240x128xf32, #tpu.memory_space<vmem_shared>>)
    %dma_start3A_210 = arith.constant 160 : i32
    %dma_start3A_211 = tpu.memref_slice %arg8[%dma_start3A_210] : memref<200xi32, #tpu.memory_space<vmem>> -> memref<40xi32, #tpu.memory_space<vmem>>
    %dma_start3A_212 = arith.constant 0 : i32
    %dma_start3A_213 = arith.constant 0 : i32
    %dma_start3A_214 = tpu.memref_slice %arg2[%dma_start3A_212, %dma_start3A_213] : memref<270000x128xf32, #tpu.memory_space<hbm>> -> memref<270000x128xf32, #tpu.memory_space<hbm>>
    tpu.enqueue_indirect_dma source(%dma_start3A_214 : memref<270000x128xf32, #tpu.memory_space<hbm>>) target(%arg23 : memref<40x128xf32, #tpu.memory_space<vmem>>) offsets(%dma_start3A_211 : memref<40xi32, #tpu.memory_space<vmem>>) semaphore(%arg31 : memref<!tpu.dma_semaphore, #tpu.memory_space<semaphore_mem>>)
    %dma_wait3A_215 = arith.constant 0 : i32
    %dma_wait3A_216 = tpu.memref_slice %arg8[%dma_wait3A_215] : memref<200xi32, #tpu.memory_space<vmem>> -> memref<40xi32, #tpu.memory_space<vmem>>
    %dma_wait3A_217 = arith.constant 0 : i32
    %dma_wait3A_218 = arith.constant 0 : i32
    %dma_wait3A_219 = tpu.memref_slice %arg2[%dma_wait3A_217, %dma_wait3A_218] : memref<270000x128xf32, #tpu.memory_space<hbm>> -> memref<270000x128xf32, #tpu.memory_space<hbm>>
    tpu.wait_indirect_dma semaphore(%arg27 : memref<!tpu.dma_semaphore, #tpu.memory_space<semaphore_mem>>) src(%dma_wait3A_219 : memref<270000x128xf32, #tpu.memory_space<hbm>>) dst(%arg19 : memref<40x128xf32, #tpu.memory_space<vmem>>)
    %dma_start3A_220 = arith.constant 0 : i32
    %dma_start3A_221 = arith.constant 0 : i32
    %dma_start3A_222 = tpu.memref_slice %arg24[%dma_start3A_220, %dma_start3A_221] : memref<10240x128xf32, #tpu.memory_space<vmem_shared>> -> memref<10240x128xf32, #tpu.memory_space<vmem_shared>>
    tpu.enqueue_indirect_dma source(%arg19 : memref<40x128xf32, #tpu.memory_space<vmem>>) target(%dma_start3A_222 : memref<10240x128xf32, #tpu.memory_space<vmem_shared>>) offsets(%arg14 : memref<40xi32, #tpu.memory_space<vmem>>) semaphore(%arg32 : memref<!tpu.dma_semaphore, #tpu.memory_space<semaphore_mem>>) {add = true}
    %dma_wait3A_223 = arith.constant 40 : i32
    %dma_wait3A_224 = tpu.memref_slice %arg8[%dma_wait3A_223] : memref<200xi32, #tpu.memory_space<vmem>> -> memref<40xi32, #tpu.memory_space<vmem>>
    %dma_wait3A_225 = arith.constant 0 : i32
    %dma_wait3A_226 = arith.constant 0 : i32
    %dma_wait3A_227 = tpu.memref_slice %arg2[%dma_wait3A_225, %dma_wait3A_226] : memref<270000x128xf32, #tpu.memory_space<hbm>> -> memref<270000x128xf32, #tpu.memory_space<hbm>>
    tpu.wait_indirect_dma semaphore(%arg28 : memref<!tpu.dma_semaphore, #tpu.memory_space<semaphore_mem>>) src(%dma_wait3A_227 : memref<270000x128xf32, #tpu.memory_space<hbm>>) dst(%arg20 : memref<40x128xf32, #tpu.memory_space<vmem>>)
    %dma_start3A_228 = arith.constant 0 : i32
    %dma_start3A_229 = arith.constant 0 : i32
    %dma_start3A_230 = tpu.memref_slice %arg24[%dma_start3A_228, %dma_start3A_229] : memref<10240x128xf32, #tpu.memory_space<vmem_shared>> -> memref<10240x128xf32, #tpu.memory_space<vmem_shared>>
    tpu.enqueue_indirect_dma source(%arg20 : memref<40x128xf32, #tpu.memory_space<vmem>>) target(%dma_start3A_230 : memref<10240x128xf32, #tpu.memory_space<vmem_shared>>) offsets(%arg15 : memref<40xi32, #tpu.memory_space<vmem>>) semaphore(%arg33 : memref<!tpu.dma_semaphore, #tpu.memory_space<semaphore_mem>>) {add = true}
    %dma_wait3A_231 = arith.constant 80 : i32
    %dma_wait3A_232 = tpu.memref_slice %arg8[%dma_wait3A_231] : memref<200xi32, #tpu.memory_space<vmem>> -> memref<40xi32, #tpu.memory_space<vmem>>
    %dma_wait3A_233 = arith.constant 0 : i32
    %dma_wait3A_234 = arith.constant 0 : i32
    %dma_wait3A_235 = tpu.memref_slice %arg2[%dma_wait3A_233, %dma_wait3A_234] : memref<270000x128xf32, #tpu.memory_space<hbm>> -> memref<270000x128xf32, #tpu.memory_space<hbm>>
    tpu.wait_indirect_dma semaphore(%arg29 : memref<!tpu.dma_semaphore, #tpu.memory_space<semaphore_mem>>) src(%dma_wait3A_235 : memref<270000x128xf32, #tpu.memory_space<hbm>>) dst(%arg21 : memref<40x128xf32, #tpu.memory_space<vmem>>)
    %dma_start3A_236 = arith.constant 0 : i32
    %dma_start3A_237 = arith.constant 0 : i32
    %dma_start3A_238 = tpu.memref_slice %arg24[%dma_start3A_236, %dma_start3A_237] : memref<10240x128xf32, #tpu.memory_space<vmem_shared>> -> memref<10240x128xf32, #tpu.memory_space<vmem_shared>>
    tpu.enqueue_indirect_dma source(%arg21 : memref<40x128xf32, #tpu.memory_space<vmem>>) target(%dma_start3A_238 : memref<10240x128xf32, #tpu.memory_space<vmem_shared>>) offsets(%arg16 : memref<40xi32, #tpu.memory_space<vmem>>) semaphore(%arg34 : memref<!tpu.dma_semaphore, #tpu.memory_space<semaphore_mem>>) {add = true}
    %dma_wait3A_239 = arith.constant 120 : i32
    %dma_wait3A_240 = tpu.memref_slice %arg8[%dma_wait3A_239] : memref<200xi32, #tpu.memory_space<vmem>> -> memref<40xi32, #tpu.memory_space<vmem>>
    %dma_wait3A_241 = arith.constant 0 : i32
    %dma_wait3A_242 = arith.constant 0 : i32
    %dma_wait3A_243 = tpu.memref_slice %arg2[%dma_wait3A_241, %dma_wait3A_242] : memref<270000x128xf32, #tpu.memory_space<hbm>> -> memref<270000x128xf32, #tpu.memory_space<hbm>>
    tpu.wait_indirect_dma semaphore(%arg30 : memref<!tpu.dma_semaphore, #tpu.memory_space<semaphore_mem>>) src(%dma_wait3A_243 : memref<270000x128xf32, #tpu.memory_space<hbm>>) dst(%arg22 : memref<40x128xf32, #tpu.memory_space<vmem>>)
    %dma_start3A_244 = arith.constant 0 : i32
    %dma_start3A_245 = arith.constant 0 : i32
    %dma_start3A_246 = tpu.memref_slice %arg24[%dma_start3A_244, %dma_start3A_245] : memref<10240x128xf32, #tpu.memory_space<vmem_shared>> -> memref<10240x128xf32, #tpu.memory_space<vmem_shared>>
    tpu.enqueue_indirect_dma source(%arg22 : memref<40x128xf32, #tpu.memory_space<vmem>>) target(%dma_start3A_246 : memref<10240x128xf32, #tpu.memory_space<vmem_shared>>) offsets(%arg17 : memref<40xi32, #tpu.memory_space<vmem>>) semaphore(%arg35 : memref<!tpu.dma_semaphore, #tpu.memory_space<semaphore_mem>>) {add = true}
    %dma_wait3A_247 = arith.constant 160 : i32
    %dma_wait3A_248 = tpu.memref_slice %arg8[%dma_wait3A_247] : memref<200xi32, #tpu.memory_space<vmem>> -> memref<40xi32, #tpu.memory_space<vmem>>
    %dma_wait3A_249 = arith.constant 0 : i32
    %dma_wait3A_250 = arith.constant 0 : i32
    %dma_wait3A_251 = tpu.memref_slice %arg2[%dma_wait3A_249, %dma_wait3A_250] : memref<270000x128xf32, #tpu.memory_space<hbm>> -> memref<270000x128xf32, #tpu.memory_space<hbm>>
    tpu.wait_indirect_dma semaphore(%arg31 : memref<!tpu.dma_semaphore, #tpu.memory_space<semaphore_mem>>) src(%dma_wait3A_251 : memref<270000x128xf32, #tpu.memory_space<hbm>>) dst(%arg23 : memref<40x128xf32, #tpu.memory_space<vmem>>)
    %dma_start3A_252 = arith.constant 0 : i32
    %dma_start3A_253 = arith.constant 0 : i32
    %dma_start3A_254 = tpu.memref_slice %arg24[%dma_start3A_252, %dma_start3A_253] : memref<10240x128xf32, #tpu.memory_space<vmem_shared>> -> memref<10240x128xf32, #tpu.memory_space<vmem_shared>>
    tpu.enqueue_indirect_dma source(%arg23 : memref<40x128xf32, #tpu.memory_space<vmem>>) target(%dma_start3A_254 : memref<10240x128xf32, #tpu.memory_space<vmem_shared>>) offsets(%arg18 : memref<40xi32, #tpu.memory_space<vmem>>) semaphore(%arg36 : memref<!tpu.dma_semaphore, #tpu.memory_space<semaphore_mem>>) {add = true}
    %dma_wait3A_255 = arith.constant 0 : i32
    %dma_wait3A_256 = arith.constant 0 : i32
    %dma_wait3A_257 = tpu.memref_slice %arg24[%dma_wait3A_255, %dma_wait3A_256] : memref<10240x128xf32, #tpu.memory_space<vmem_shared>> -> memref<10240x128xf32, #tpu.memory_space<vmem_shared>>
    tpu.wait_indirect_dma semaphore(%arg32 : memref<!tpu.dma_semaphore, #tpu.memory_space<semaphore_mem>>) src(%arg19 : memref<40x128xf32, #tpu.memory_space<vmem>>) dst(%dma_wait3A_257 : memref<10240x128xf32, #tpu.memory_space<vmem_shared>>)
    %dma_wait3A_258 = arith.constant 0 : i32
    %dma_wait3A_259 = arith.constant 0 : i32
    %dma_wait3A_260 = tpu.memref_slice %arg24[%dma_wait3A_258, %dma_wait3A_259] : memref<10240x128xf32, #tpu.memory_space<vmem_shared>> -> memref<10240x128xf32, #tpu.memory_space<vmem_shared>>
    tpu.wait_indirect_dma semaphore(%arg33 : memref<!tpu.dma_semaphore, #tpu.memory_space<semaphore_mem>>) src(%arg20 : memref<40x128xf32, #tpu.memory_space<vmem>>) dst(%dma_wait3A_260 : memref<10240x128xf32, #tpu.memory_space<vmem_shared>>)
    %dma_wait3A_261 = arith.constant 0 : i32
    %dma_wait3A_262 = arith.constant 0 : i32
    %dma_wait3A_263 = tpu.memref_slice %arg24[%dma_wait3A_261, %dma_wait3A_262] : memref<10240x128xf32, #tpu.memory_space<vmem_shared>> -> memref<10240x128xf32, #tpu.memory_space<vmem_shared>>
    tpu.wait_indirect_dma semaphore(%arg34 : memref<!tpu.dma_semaphore, #tpu.memory_space<semaphore_mem>>) src(%arg21 : memref<40x128xf32, #tpu.memory_space<vmem>>) dst(%dma_wait3A_263 : memref<10240x128xf32, #tpu.memory_space<vmem_shared>>)
    %dma_wait3A_264 = arith.constant 0 : i32
    %dma_wait3A_265 = arith.constant 0 : i32
    %dma_wait3A_266 = tpu.memref_slice %arg24[%dma_wait3A_264, %dma_wait3A_265] : memref<10240x128xf32, #tpu.memory_space<vmem_shared>> -> memref<10240x128xf32, #tpu.memory_space<vmem_shared>>
    tpu.wait_indirect_dma semaphore(%arg35 : memref<!tpu.dma_semaphore, #tpu.memory_space<semaphore_mem>>) src(%arg22 : memref<40x128xf32, #tpu.memory_space<vmem>>) dst(%dma_wait3A_266 : memref<10240x128xf32, #tpu.memory_space<vmem_shared>>)
    %dma_wait3A_267 = arith.constant 0 : i32
    %dma_wait3A_268 = arith.constant 0 : i32
    %dma_wait3A_269 = tpu.memref_slice %arg24[%dma_wait3A_267, %dma_wait3A_268] : memref<10240x128xf32, #tpu.memory_space<vmem_shared>> -> memref<10240x128xf32, #tpu.memory_space<vmem_shared>>
    tpu.wait_indirect_dma semaphore(%arg36 : memref<!tpu.dma_semaphore, #tpu.memory_space<semaphore_mem>>) src(%arg23 : memref<40x128xf32, #tpu.memory_space<vmem>>) dst(%dma_wait3A_269 : memref<10240x128xf32, #tpu.memory_space<vmem_shared>>)
    %barrier3A_270 = arith.constant 0 : index
    tpu.barrier barrier_id(%barrier3A_270)
    %mul3A_271 = arith.constant 640 : i32
    %mul3A_272 = arith.muli %arg1, %mul3A_271 : i32
    %mul3A_273 = arith.constant 640 : i32
    %mul3A_274 = arith.muli %arg1, %mul3A_273 : i32
    "tpu.region"() ({
      %run_scoped3A = tpu.sem_alloc : memref<!tpu.dma_semaphore, #tpu.memory_space<semaphore_mem>>
      %dma_start3A_275 = arith.constant 0 : i32
      %dma_start3A_276 = tpu.memref_slice %arg6[%arg0, %mul3A_274, %dma_start3A_275] : memref<2x10240x128xf32, #tpu.memory_space<hbm>> -> memref<1x640x128xf32, #tpu.memory_space<hbm>>
      %dma_start3A_277 = tpu.memref_squeeze %dma_start3A_276 : memref<1x640x128xf32, #tpu.memory_space<hbm>> -> memref<640x128xf32, #tpu.memory_space<hbm>>
      %dma_start3A_278 = arith.constant 0 : i32
      %dma_start3A_279 = tpu.memref_slice %arg24[%mul3A_272, %dma_start3A_278] : memref<10240x128xf32, #tpu.memory_space<vmem_shared>> -> memref<640x128xf32, #tpu.memory_space<vmem_shared>>
      tpu.enqueue_dma source(%dma_start3A_279 : memref<640x128xf32, #tpu.memory_space<vmem_shared>>) target(%dma_start3A_277 : memref<640x128xf32, #tpu.memory_space<hbm>>) target_semaphore(%run_scoped3A : memref<!tpu.dma_semaphore, #tpu.memory_space<semaphore_mem>>)
      %dma_wait3A_280 = arith.constant 0 : i32
      %dma_wait3A_281 = tpu.memref_slice %arg6[%arg0, %mul3A_274, %dma_wait3A_280] : memref<2x10240x128xf32, #tpu.memory_space<hbm>> -> memref<1x640x128xf32, #tpu.memory_space<hbm>>
      %dma_wait3A_282 = tpu.memref_squeeze %dma_wait3A_281 : memref<1x640x128xf32, #tpu.memory_space<hbm>> -> memref<640x128xf32, #tpu.memory_space<hbm>>
      %dma_wait3A_283 = arith.constant 0 : i32
      %dma_wait3A_284 = tpu.memref_slice %arg24[%mul3A_272, %dma_wait3A_283] : memref<10240x128xf32, #tpu.memory_space<vmem_shared>> -> memref<640x128xf32, #tpu.memory_space<vmem_shared>>
      tpu.wait_dma2 semaphore(%run_scoped3A : memref<!tpu.dma_semaphore, #tpu.memory_space<semaphore_mem>>) src(%dma_wait3A_284 : memref<640x128xf32, #tpu.memory_space<vmem_shared>>) dst(%dma_wait3A_282 : memref<640x128xf32, #tpu.memory_space<hbm>>)
      tpu.yield
    }) : () -> ()
    return
  }
}

module attributes {stable_mosaic.version = 14 : i64} {
  func.func @_sum_body(%arg0: i32, %arg1: memref<2x2000x128xf32, #tpu.memory_space<vmem>>, %arg2: memref<2000x128xf32, #tpu.memory_space<vmem>>) attributes {dimension_semantics = [#tpu.dimension_semantics<arbitrary>], iteration_bounds = array<i64: 5>, scalar_prefetch = 0 : i64, scratch_operands = 0 : i64, tpu.core_type = #tpu.core_type<tc>, window_params = [{transform_indices = @transform_0, window_bounds = array<i64: 2, 2000, 128>}, {transform_indices = @transform_1, window_bounds = array<i64: 2000, 128>}]} {
    %get3A = arith.constant 0 : index
    %get3A_0 = arith.constant 0 : index
    %get3A_1 = arith.constant 0 : index
    %get3A_2 = vector.load %arg1[%get3A, %get3A_0, %get3A_1] : memref<2x2000x128xf32, #tpu.memory_space<vmem>>, vector<1x2000x128xf32>
    %get3A_3 = vector.shape_cast %get3A_2 : vector<1x2000x128xf32> to vector<2000x128xf32>
    %get3A_4 = arith.constant 1 : index
    %get3A_5 = arith.constant 0 : index
    %get3A_6 = arith.constant 0 : index
    %get3A_7 = vector.load %arg1[%get3A_4, %get3A_5, %get3A_6] : memref<2x2000x128xf32, #tpu.memory_space<vmem>>, vector<1x2000x128xf32>
    %get3A_8 = vector.shape_cast %get3A_7 : vector<1x2000x128xf32> to vector<2000x128xf32>
    %add3A = arith.addf %get3A_3, %get3A_8 : vector<2000x128xf32>
    %swap3A = arith.constant 0 : index
    %swap3A_9 = arith.constant 0 : index
    %swap3A_10 = vector.load %arg2[%swap3A, %swap3A_9] : memref<2000x128xf32, #tpu.memory_space<vmem>>, vector<2000x128xf32>
    tpu.vector_store %arg2[%swap3A, %swap3A_9], %add3A {strides = array<i32>} : memref<2000x128xf32, #tpu.memory_space<vmem>>, vector<2000x128xf32>,
    return
  }
  func.func @transform_0(%arg0: i32) -> (i32, i32, i32) {
    %c0_i32 = arith.constant 0 : i32
    %c0_i32_0 = arith.constant 0 : i32
    %c0_i32_1 = arith.constant 0 : i32
    return %c0_i32, %arg0, %c0_i32_0 : i32, i32, i32
  }
  func.func @transform_1(%arg0: i32) -> (i32, i32) {
    %c0_i32 = arith.constant 0 : i32
    %c0_i32_0 = arith.constant 0 : i32
    return %arg0, %c0_i32 : i32, i32
  }
}

module attributes {stable_mosaic.version = 14 : i64} {
  func.func @_matmul_body(%arg0: i32, %arg1: memref<10000x128xf32, #tpu.memory_space<vmem>>, %arg2: memref<1x128x128xf32, #tpu.memory_space<vmem>>, %arg3: memref<2x320000xi32, #tpu.memory_space<vmem>>, %arg4: memref<320000xi32, #tpu.memory_space<vmem>>, %arg5: memref<10000x128xf32, #tpu.memory_space<vmem>>, %arg6: memref<320000xi32, #tpu.memory_space<vmem>>, %arg7: memref<320000xi32, #tpu.memory_space<vmem>>) attributes {dimension_semantics = [#tpu.dimension_semantics<arbitrary>], iteration_bounds = array<i64: 27>, scalar_prefetch = 0 : i64, scratch_operands = 0 : i64, tpu.core_type = #tpu.core_type<tc>, window_params = [{pipeline_mode = #tpu.pipeline_mode<synchronous>, transform_indices = @transform_0, window_bounds = array<i64: 10000, 128>}, {transform_indices = @transform_1, window_bounds = array<i64: 1, 128, 128>}, {pipeline_mode = #tpu.pipeline_mode<synchronous>, transform_indices = @transform_2, window_bounds = array<i64: 2, 320000>}, {pipeline_mode = #tpu.pipeline_mode<synchronous>, transform_indices = @transform_3, window_bounds = array<i64: 320000>}, {transform_indices = @transform_4, window_bounds = array<i64: 10000, 128>}, {pipeline_mode = #tpu.pipeline_mode<synchronous>, transform_indices = @transform_5, window_bounds = array<i64: 320000>}, {pipeline_mode = #tpu.pipeline_mode<synchronous>, transform_indices = @transform_6, window_bounds = array<i64: 320000>}]} {
    %get3A = arith.constant 0 : index
    %get3A_0 = arith.constant 0 : index
    %get3A_1 = vector.load %arg1[%get3A, %get3A_0] : memref<10000x128xf32, #tpu.memory_space<vmem>>, vector<10000x128xf32>
    %get3A_2 = arith.constant 0 : index
    %get3A_3 = arith.constant 0 : index
    %get3A_4 = arith.constant 0 : index
    %get3A_5 = vector.load %arg2[%get3A_2, %get3A_3, %get3A_4] : memref<1x128x128xf32, #tpu.memory_space<vmem>>, vector<1x128x128xf32>
    %get3A_6 = vector.shape_cast %get3A_5 : vector<1x128x128xf32> to vector<128x128xf32>
    %dot_general3A = arith.constant dense<0.000000e+00> : vector<10000x128xf32>
    %dot_general3A_7 = tpu.matmul %get3A_1, %get3A_6, %dot_general3A {dimension_numbers = #tpu.dot_dimension_numbers<[1], [0], [0], [1], [0, 0, 1, 1], [], []>, transpose_lhs_hint = false} : vector<10000x128xf32>, vector<128x128xf32>, vector<10000x128xf32> -> vector<10000x128xf32>
    %swap3A = arith.constant 0 : index
    %swap3A_8 = arith.constant 0 : index
    %swap3A_9 = vector.load %arg5[%swap3A, %swap3A_8] : memref<10000x128xf32, #tpu.memory_space<vmem>>, vector<10000x128xf32>
    tpu.vector_store %arg5[%swap3A, %swap3A_8], %dot_general3A_7 {strides = array<i32>} : memref<10000x128xf32, #tpu.memory_space<vmem>>, vector<10000x128xf32>,
    %eq3A = arith.constant 0 : i32
    %eq3A_10 = arith.cmpi eq, %arg0, %eq3A : i32
    %convert_element_type3A = arith.extui %eq3A_10 : i1 to i32
    %cond3A = arith.constant 0 : i32
    %cond3A_11 = arith.cmpi ne, %convert_element_type3A, %cond3A : i32
    scf.if %cond3A_11 {
      %get3A_12 = arith.constant 0 : index
      %get3A_13 = vector.load %arg4[%get3A_12] : memref<320000xi32, #tpu.memory_space<vmem>>, vector<320000xi32>
      %mul3A = arith.constant 10000 : i32
      %mul3A_14 = vector.broadcast %mul3A : i32 to vector<320000xi32>
      %mul3A_15 = arith.muli %get3A_13, %mul3A_14 : vector<320000xi32>
      %get3A_16 = arith.constant 0 : index
      %get3A_17 = arith.constant 0 : index
      %get3A_18 = vector.load %arg3[%get3A_16, %get3A_17] : memref<2x320000xi32, #tpu.memory_space<vmem>>, vector<1x320000xi32>
      %get3A_19 = vector.shape_cast %get3A_18 : vector<1x320000xi32> to vector<320000xi32>
      %add3A = arith.addi %mul3A_15, %get3A_19 : vector<320000xi32>
      %swap3A_20 = arith.constant 0 : index
      %swap3A_21 = vector.load %arg6[%swap3A_20] : memref<320000xi32, #tpu.memory_space<vmem>>, vector<320000xi32>
      tpu.vector_store %arg6[%swap3A_20], %add3A {strides = array<i32>} : memref<320000xi32, #tpu.memory_space<vmem>>, vector<320000xi32>,
      %get3A_22 = arith.constant 1 : index
      %get3A_23 = arith.constant 0 : index
      %get3A_24 = vector.load %arg3[%get3A_22, %get3A_23] : memref<2x320000xi32, #tpu.memory_space<vmem>>, vector<1x320000xi32>
      %get3A_25 = vector.shape_cast %get3A_24 : vector<1x320000xi32> to vector<320000xi32>
      %swap3A_26 = arith.constant 0 : index
      %swap3A_27 = vector.load %arg7[%swap3A_26] : memref<320000xi32, #tpu.memory_space<vmem>>, vector<320000xi32>
      tpu.vector_store %arg7[%swap3A_26], %get3A_25 {strides = array<i32>} : memref<320000xi32, #tpu.memory_space<vmem>>, vector<320000xi32>,
    } else {
    }
    return
  }
  func.func @transform_0(%arg0: i32) -> (i32, i32) {
    %c0_i32 = arith.constant 0 : i32
    %c0_i32_0 = arith.constant 0 : i32
    %c0_i32_1 = arith.constant 0 : i32
    return %c0_i32, %c0_i32_0 : i32, i32
  }
  func.func @transform_1(%arg0: i32) -> (i32, i32, i32) {
    %c0_i32 = arith.constant 0 : i32
    %c0_i32_0 = arith.constant 0 : i32
    %c0_i32_1 = arith.constant 0 : i32
    return %arg0, %c0_i32, %c0_i32_0 : i32, i32, i32
  }
  func.func @transform_2(%arg0: i32) -> (i32, i32) {
    %c0_i32 = arith.constant 0 : i32
    %c0_i32_0 = arith.constant 0 : i32
    %c0_i32_1 = arith.constant 0 : i32
    return %c0_i32, %c0_i32_0 : i32, i32
  }
  func.func @transform_3(%arg0: i32) -> i32 {
    %c0_i32 = arith.constant 0 : i32
    %c0_i32_0 = arith.constant 0 : i32
    return %c0_i32 : i32
  }
  func.func @transform_4(%arg0: i32) -> (i32, i32) {
    %c0_i32 = arith.constant 0 : i32
    %c0_i32_0 = arith.constant 0 : i32
    return %arg0, %c0_i32 : i32, i32
  }
  func.func @transform_5(%arg0: i32) -> i32 {
    %c0_i32 = arith.constant 0 : i32
    %c0_i32_0 = arith.constant 0 : i32
    return %c0_i32 : i32
  }
  func.func @transform_6(%arg0: i32) -> i32 {
    %c0_i32 = arith.constant 0 : i32
    %c0_i32_0 = arith.constant 0 : i32
    return %c0_i32 : i32
  }
}

</mosaic_0001>

<sc_bundles>
// kernel: kernel.6.cloned.1.call-start
scs
__scs_entry_jumppad:
0x0: {  	(pc) =	sbr.rel $0x88, $3  }
0x1: {  	(tag) =	ssettag $0x0;
	lr =	simm.s32 $0x1  }
0x2: {  	[smem:$0x3F9D] =	sst lr;
	_ =	strace $0xD0000000  }
0x3: {  	_ = 	snop  }
0x4: {  	_ = 	snop  }
0x5: {  	_ = 	snop  }
0x6: {  	_ = 	snop  }
0x7: {  	_ = 	snop  }
__scs_overlays_trampoline_lowered:
0x8: {  	[smem:$0x3FAC] =	sst s0  }
0x9: {  	[smem:$0x3FAD] =	sst s1  }
0xa: {  	[smem:$0x3FAE] =	sst s2  }
0xb: {  	[smem:$0x3FAF] =	sst s3  }
0xc: {  	[smem:$0x3FB0] =	sst s4  }
0xd: {  	[smem:$0x3FB1] =	sst s5  }
0xe: {  	[smem:$0x3FB2] =	sst s6  }
0xf: {  	[smem:$0x3FB3] =	sst s7  }
0x10: {  	[smem:$0x3FB4] =	sst s8  }
0x11: {  	[smem:$0x3FB5] =	sst s9;
	s0 =	simm.s32 @!p0 $0x0  }
0x12: {  	s1 =	sld [smem:$0x3F9B];
	s0 =	simm.s32 @p0 $0x1  }
0x13: {  	[smem:$0x3FB6] =	sst s0;
	s0 =	simm.s32 @!p1 $0x0  }
0x14: {  	s2 =	sld [smem:$0x3F9A];
	s0 =	simm.s32 @p1 $0x1  }
0x15: {  	[smem:$0x3FB7] =	sst s0;
	s0 =	simm.s32 @!p2 $0x0  }
0x16: {  	s3 =	sld [smem:$0x3FDB];
	s0 =	simm.s32 @p2 $0x1  }
0x17: {  	s4 =	simm.s32 $0x1BF5;
	[smem:$0x3FB9] =	sst s0  }
0x18: {  	s0 =	sld [smem:$0x3F9C];
	_ =	swait.ge [sflag:s4], $0x0  }
0x19: {  	s7 =	sld [smem:$0x3F9D]  }
0x1a: {  	s8 =	sadd.s32 $0xFFFFE003, lr  }
0x1b: {  	s9 =	sadd.s32 $0xFFFFFEF7, lr;
	s5 =	simm.s32 $0xFFFFFFFF;
	p2 =	slt.u32 s8, $0xFFFFF086  }
0x1c: {  	p1 =	slt.u32 s9, $0xF7A;
	s5 =	simm.s32 @!p2 $0x0  }
0x1d: {  	s5 =	simm.s32 @p1 $0x1;
	p0 =	seq.s32 s7, s2  }
0x1e: {  	s7 =	smul.u32 @!p0 $0xF7A, s2;
	p2 =	seq.s32 @!p0 s5, $0x0  }
0x1f: {  	s9 =	smul.u32 $0xF7A, s1;
	s8 =	simm.s32 @!p0 $0x1BF5;
	p2 =	por !p2, p0  }
0x20: {  	[sflag:s8] =	ssyncset.s32 @!p0 $0xFFFFF086;
	s6 =	sadd.s32 @!p0 s3, s7;
	s7 =	simm.s32 @!p0 $0x108  }
0x21: {  	s3 =	sadd.s32 s3, s9;
	s6 =	sadd.s32 @!p0 $0x88, s6;
	s7 =	simm.s32 @p2 $0x1082  }
0x22: {  	[simem:s7], [sflag:s8] =	dma.local @!p0 [hbm:s6], $0xF7A  }
0x23: {  	s9 =	sor.u32 $0xD0000000, s2;
	s6 =	simm.s32 $0x108;
	_ =	swait.ge @!p0 [sflag:s8], $0x0  }
0x24: {  	s3 =	sadd.s32 $0x88, s3;
	s6 =	simm.s32 @!p1 $0x1082;
	[sflag:s4] =	ssyncset.s32 $0xFFFFF086  }
0x25: {  	[simem:s6], [sflag:s4] =	dma.local [hbm:s3], $0xF7A  }
0x26: {  	[smem:$0x3F9D] =	sst s1;
	(tag) =	ssettag s2;
	_ =	strace s9  }
0x27: {  	s1 =	sld [smem:$0x3FAD]  }
0x28: {  	s2 =	sld [smem:$0x3FAE]  }
0x29: {  	s4 =	sld [smem:$0x3FB0]  }
0x2a: {  	p0 =	seq.s32 s5, $0x0;
	s5 =	sld [smem:$0x3FB1]  }
0x2b: {  	s6 =	sld [smem:$0x3FB2]  }
0x2c: {  	s7 =	sld [smem:$0x3FB3]  }
0x2d: {  	s3 =	simm.s32 $0x108;
	s8 =	sld [smem:$0x3FB4]  }
0x2e: {  	s3 =	simm.s32 @!p0 $0x1082;
	s9 =	sld [smem:$0x3FB5]  }
0x2f: {  	lr =	sadd.s32 s0, s3;
	s0 =	sld [smem:$0x3FAC]  }
0x30: {  	s3 =	sld [smem:$0x3FAF]  }
0x31: {  	[smem:$0x3FB8] =	sst s10  }
0x32: {  	s10 =	sld [smem:$0x3FB6];
	_ =	sdelay $0x3  }
0x33: {  	p0 =	seq.s32 s10, $0x1;
	s10 =	sld [smem:$0x3FB8];
	_ =	sdelay $0x3  }
0x34: {  	[smem:$0x3FB8] =	sst s10  }
0x35: {  	s10 =	sld [smem:$0x3FB7];
	_ =	sdelay $0x3  }
0x36: {  	p1 =	seq.s32 s10, $0x1;
	s10 =	sld [smem:$0x3FB8];
	_ =	sdelay $0x3  }
0x37: {  	[smem:$0x3FB8] =	sst s10  }
0x38: {  	s10 =	sld [smem:$0x3FB9]  }
0x39: {  	_ = 	snop;
	(pc) =	sbr.ind lr, $3  }
0x3a: {  	_ = 	snop  }
0x3b: {  	_ = 	snop  }
0x3c: {  	p2 =	seq.s32 s10, $0x1;
	s10 =	sld [smem:$0x3FB8]  }
0x3d: {  	_ =	shalt  }
0x3e: {  	_ =	shalt  }
0x3f: {  	_ =	shalt  }
0x40: {  	_ =	shalt  }
0x41: {  	_ =	shalt  }
0x42: {  	_ =	shalt  }
0x43: {  	_ =	shalt  }
0x44: {  	_ =	shalt  }
0x45: {  	_ =	shalt  }
0x46: {  	_ =	shalt  }
0x47: {  	_ =	shalt  }
0x48: {  	_ =	shalt  }
0x49: {  	_ =	shalt  }
0x4a: {  	_ =	shalt  }
0x4b: {  	_ =	shalt  }
0x4c: {  	_ =	shalt  }
0x4d: {  	_ =	shalt  }
0x4e: {  	_ =	shalt  }
0x4f: {  	_ =	shalt  }
0x50: {  	_ =	shalt  }
0x51: {  	_ =	shalt  }
0x52: {  	_ =	shalt  }
0x53: {  	_ =	shalt  }
0x54: {  	_ =	shalt  }
0x55: {  	_ =	shalt  }
0x56: {  	_ =	shalt  }
0x57: {  	_ =	shalt  }
0x58: {  	_ =	shalt  }
0x59: {  	_ =	shalt  }
0x5a: {  	_ =	shalt  }
0x5b: {  	_ =	shalt  }
0x5c: {  	_ =	shalt  }
0x5d: {  	_ =	shalt  }
0x5e: {  	_ =	shalt  }
0x5f: {  	_ =	shalt  }
0x60: {  	_ =	shalt  }
0x61: {  	_ =	shalt  }
0x62: {  	_ =	shalt  }
0x63: {  	_ =	shalt  }
0x64: {  	_ =	shalt  }
0x65: {  	_ =	shalt  }
0x66: {  	_ =	shalt  }
0x67: {  	_ =	shalt  }
0x68: {  	_ =	shalt  }
0x69: {  	_ =	shalt  }
0x6a: {  	_ =	shalt  }
0x6b: {  	_ =	shalt  }
0x6c: {  	_ =	shalt  }
0x6d: {  	_ =	shalt  }
0x6e: {  	_ =	shalt  }
0x6f: {  	_ =	shalt  }
0x70: {  	_ =	shalt  }
0x71: {  	_ =	shalt  }
0x72: {  	_ =	shalt  }
0x73: {  	_ =	shalt  }
0x74: {  	_ =	shalt  }
0x75: {  	_ =	shalt  }
0x76: {  	_ =	shalt  }
0x77: {  	_ =	shalt  }
0x78: {  	_ =	shalt  }
0x79: {  	_ =	shalt  }
0x7a: {  	_ =	shalt  }
0x7b: {  	_ =	shalt  }
0x7c: {  	_ =	shalt  }
0x7d: {  	_ =	shalt  }
0x7e: {  	_ =	shalt  }
0x7f: {  	_ =	shalt  }
0x80: {  	_ =	shalt  }
0x81: {  	_ =	shalt  }
0x82: {  	_ =	shalt  }
0x83: {  	_ =	shalt  }
0x84: {  	_ =	shalt  }
0x85: {  	_ =	shalt  }
0x86: {  	_ =	shalt  }
0x87: {  	_ =	shalt  }
.Lfunc_end0:
.L_simem_size_0:
called_computation_lowered:
.L_overlay_start_0:
0x88: {  	s2 =	sld [smem:$0x3FD9]  }
0x89: {  	s3 =	sld [smem:$0x3FFE];
	_ =	sdelay $0x1  }
0x8a: {  	s1 =	srdreg.scid  }
0x8b: {  	s0 =	sand.u32 $0x1, s1  }
0x8c: {  	s17 =	sshll.u32 s0, $0xA;
	s2 =	sadd.s32 s3, s2  }
0x8d: {  	s2 =	sadd.s32 s2, s17  }
0x8e: {  	[smem:$0x3FC4] =	sst s2  }
0x8f: {  	_ = 	snop  }
0x90: {  	s2 =	sld [smem:$0x3FD0];
	(tm) =	ssettm $0x1  }
0x91: {  	s18 =	sld [smem:$0x3FFB];
	_ =	sdelay $0x3  }
0x92: {  	_ =	strace s18  }
0x93: {  	s3 =	sld [smem:$0x3FFC];
	_ =	sdelay $0x3  }
0x94: {  	_ =	strace s3  }
0x95: {  	s3 =	sld [smem:$0x3FFD];
	_ =	sdelay $0x3  }
0x96: {  	_ =	strace s3  }
0x97: {  	_ =	strace $0x8FFFFFFF  }
0x98: {  	s19 =	sld [smem:$0x3FDB];
	_ =	sdelay $0x1  }
0x99: {  	s4 =	simm.s32 $_scs_section_size  }
0x9a: {  	s5 =	simm.s32 $_size__tile_overlayer_lowered;
	s6 =	simm.s32 $_tile_overlayer_lowered  }
0x9b: {  	s22 =	simm.s32 $0x1BFF;
	s21 =	sshll.u32 s6, $0x1;
	s3 =	sadd.s32 s4, s19  }
0x9c: {  	s7 =	simm.s32 $0x0;
	s20 =	sshll.u32 s5, $0x1;
	s5 =	sadd.s32 s21, s3  }
0x9d: {  	[timem:s7], [sflag:s22] =	dma.local [hbm:s5], s20  }
0x9e: {  	_ =	swait.ge [sflag:s22], s20  }
0x9f: {  	s4 =	ssub.s32 $0x0, s20;
	[sflag:s22] =	ssyncset.done $0x0  }
0xa0: {  	[sflag:s22] =	ssyncadd.s32 s4;
	_ =	sdelay $0x1  }
0xa1: {  	s23 =	simm.s32 $0x1B8B  }
0xa2: {  	_ =	swait.ge [sflag:s23], $0x1  }
0xa3: {  	[sflag:s23] =	ssyncset.done $0x0  }
0xa4: {  	s25 =	simm.s32 $0x1B8E;
	s24 =	sld [smem:$0x3FFE];
	[sflag:s23] =	ssyncadd.s32 $0xFFFFFFFF  }
0xa5: {  	s26 =	simm.s32 $execute0_lowered;
	[smem:$0x3FD2] =	sst s25  }
0xa6: {  	s5 =	sshll.u32 s26, $0x1;
	_ =	strace $0x80000046;
	[dreg:$0x1] =	wrdreg $0xFFFFFFFF  }
0xa7: {  	s28 =	simm.s32 $_size_execute0_lowered;
	s3 =	sadd.s32 s3, s5;
	[dreg:$0x0] =	wrdreg $0x0  }
0xa8: {  	s5 =	sshll.u32 s28, $0x1;
	[dreg:$0x2] =	wrdreg s3  }
0xa9: {  	[dreg:$0x3] =	wrdreg s5  }
0xaa: {  	[dreg:$0x4] =	wrdreg $0xC0  }
0xab: {  	_ =	task [dreg:s7], $0x5FFFF  }
0xac: {  	[dreg:$0x1] =	wrdreg $0xFFFFFFFF  }
0xad: {  	[dreg:$0x0] =	wrdreg $0x60  }
0xae: {  	[dreg:$0x2] =	wrdreg s24  }
0xaf: {  	[dreg:$0x3] =	wrdreg s2  }
0xb0: {  	[dreg:$0x4] =	wrdreg $0x6B000  }
0xb1: {  	[dreg:$0x5] =	wrdreg $0x9  }
0xb2: {  	_ =	task.clear_ibuf [dreg:s7], $0x6FFFF;
	_ =	strace $0x90000046  }
0xb3: {  	s29 =	simm.s32 $0x9;
	_ =	strace $0x80000048  }
0xb4: {  	_ =	swait.ge [sflag:s29], $0x1  }
0xb5: {  	[sflag:s29] =	ssyncadd.s32 $0xFFFFFFFF  }
0xb6: {  	_ =	strace $0x90000048  }
0xb7: {  	_ =	sfence  }
0xb8: {  	s30 =	sld [smem:$0x0];
	_ =	sdelay $0x2  }
0xb9: {  	s31 =	sshll.u32 s1, $0xD;
	s1 =	sshrl.u32 s1, $0x2  }
0xba: {  	s3 =	sand.u32 $0x4000, s31;
	s1 =	sadd.s32 s1, s30  }
0xbb: {  	s0 =	sor.u32 s3, s0;
	s1 =	sshll.u32 s1, $0x11  }
0xbc: {  	s0 =	sor.u32 s1, s0  }
0xbd: {  	s0 =	sadd.s32 $0x8F2B, s0  }
0xbe: {  	[sflag:s0] =	ssyncadd.remote.s32 $0x1  }
0xbf: {  	_ =	sfence.sel $0xFFFF  }
0xc0: {  	[dreg:$0x0] =	wrdreg $0xFFFFFFFF;
	(pc) =	sbr.abs _section_cstart, $3  }
0xc1: {  	[dreg:$0x1] =	wrdreg $0xFFFFFFFF  }
0xc2: {  	_ =	task.clear_ibuf [dreg:s7], $0x2FFFF;
	_ =	strace $0x9FFFFFFF  }
0xc3: {  	(tm) =	ssettm $0x7FFFFFFF  }
tec
execute0_lowered:
.L_overlay_start_1:
0x0: {  	(tag) =	ssettag $0x1  }
0x1: {  	s0 =	rddreg [dreg:$0x0]  }
0x2: {  	s10 =	rddreg [dreg:$0x1]  }
0x3: {  	s2 =	rddreg [dreg:$0x2]  }
0x4: {  	s1 =	srdreg.scid;
	s4 =	simm.s32 $0x0;
	s9 =	stileid.u32  }
0x5: {  	s28 =	simm.s32 $0xA0;
	s3 =	sand.u32 $0x1, s1;
	s6 =	smul.u32 $0x14000, s9  }
0x6: {  	[smem:$0x7FF] =	sst s4;
	s16 =	sadd.s32 $0x1400, s0;
	s8 =	smul.u32 $0x50000, s9  }
0x7: {  	s19 =	sadd.s32 $0x420000, s0;
	s31 =	sadd.s32 $0x429E00, s0;
	s18 =	smul.u32 $0x2710, s9  }
0x8: {  	s11 =	sshll.u32 s9, $0x6;
	s1 =	smul.u32 $0x140000, s3;
	_ =	strace $0x80000047  }
0x9: {  	[dreg:$0xf] =	wrdreg s31;
	s4 =	sshll.u32 s3, $0x4;
	s7 =	ssub.s32 $0x2, s3  }
0xa: {  	[dreg:$0x10] =	wrdreg s11;
	s12 =	sor.u32 $0x1C0D, s11;
	s3 =	smul.u32 $0x27100, s3  }
0xb: {  	[dreg:$0xe] =	wrdreg s19;
	s5 =	sshrl.u32 s7, $0x1;
	s8 =	sshrl.u32 s8, $0x2  }
0xc: {  	[dreg:$0x12] =	wrdreg s12;
	s1 =	sadd.s32 s6, s1;
	s6 =	sor.u32 s9, s4  }
0xd: {  	s3 =	sadd.s32 s18, s3;
	s1 =	sshrl.u32 s1, $0x3;
	s6 =	smul.u32 $0x2710, s6  }
0xe: {  	s29 =	sadd.s32 $0x2F8, s3;
	s9 =	sadd.s32 $0x2A8, s3;
	s11 =	sadd.s32 $0x280, s3  }
0xf: {  	s18 =	sadd.s32 $0x208, s3;
	s0 =	sadd.s32 s1, s0;
	s1 =	ssub.s32 s7, s5  }
0x10: {  	s7 =	sadd.s32 s8, s2;
	s8 =	sadd.s32 $0x258, s3;
	s31 =	sshrl.u32 s29, $0x3  }
0x11: {  	s5 =	sadd.s32 $0x2D0, s3;
	[dreg:$0x11] =	wrdreg s7;
	s13 =	sshrl.u32 s6, $0x3  }
0x12: {  	s15 =	sadd.s32 $0x28, s6;
	s21 =	sadd.s32 $0x78, s6;
	s4 =	sadd.s32 s31, s19  }
0x13: {  	s22 =	sadd.s32 $0xC8, s6;
	s0 =	sadd.s32 $0x42C600, s0;
	[dreg:$0x6] =	wrdreg s4  }
0x14: {  	s8 =	sshrl.u32 s8, $0x3;
	s31 =	sadd.s32 $0x190, s3;
	[dreg:$0x1f] =	wrdreg s0  }
0x15: {  	s14 =	sadd.s32 s10, s13;
	s2 =	sadd.s32 s19, s13;
	[smem:$0x7FD] =	sst s31  }
0x16: {  	s17 =	sshrl.u32 s15, $0x3;
	s26 =	sadd.s32 s8, s19;
	[dreg:$0x13] =	wrdreg s14  }
0x17: {  	s23 =	sshrl.u32 s22, $0x3;
	s30 =	sadd.s32 s8, s10;
	[dreg:$0x4] =	wrdreg s26  }
0x18: {  	s8 =	sshrl.u32 s5, $0x3;
	s13 =	sshrl.u32 s11, $0x3;
	[dreg:$0x5] =	wrdreg s30  }
0x19: {  	s15 =	sadd.s32 $0x230, s3;
	s7 =	sadd.s32 s19, s17;
	[dreg:$0x14] =	wrdreg s2  }
0x1a: {  	s4 =	simm.s32 $0x0;
	s20 =	sadd.s32 $0xA, s2;
	[dreg:$0x15] =	wrdreg s7  }
0x1b: {  	s24 =	sadd.s32 $0x14, s2;
	s25 =	sadd.s32 s10, s23;
	[dreg:$0x16] =	wrdreg s20  }
0x1c: {  	s14 =	sadd.s32 s13, s19;
	s17 =	sshrl.u32 s15, $0x3;
	[dreg:$0x18] =	wrdreg s24  }
0x1d: {  	s26 =	sadd.s32 $0x1B8, s3;
	s29 =	sadd.s32 $0x28, s2;
	[dreg:$0x19] =	wrdreg s25  }
0x1e: {  	s30 =	smax.u32 s1, $0x1;
	s15 =	simm.s32 $0x28;
	[dreg:$0x9] =	wrdreg s14  }
0x1f: {  	s7 =	sshrl.u32 s21, $0x3;
	s20 =	sadd.s32 $0x1E0, s3;
	[dreg:$0x1d] =	wrdreg s29  }
0x20: {  	s25 =	sadd.s32 $0x118, s6;
	[smem:$0x7FC] =	sst s30;
	s7 =	sadd.s32 s19, s7  }
0x21: {  	s6 =	sadd.s32 $0x168, s6;
	[dreg:$0x17] =	wrdreg s7;
	s7 =	sadd.s32 s19, s23  }
0x22: {  	s22 =	sshrl.u32 s20, $0x3;
	s23 =	sadd.s32 $0x1E, s2;
	[dreg:$0x1a] =	wrdreg s7  }
0x23: {  	s6 =	sshrl.u32 s6, $0x3;
	s24 =	sadd.s32 s22, s19;
	[dreg:$0x1b] =	wrdreg s23  }
0x24: {  	s1 =	simm.s32 $0x2;
	s6 =	sadd.s32 s19, s6;
	[dreg:$0xc] =	wrdreg s24  }
0x25: {  	s7 =	sadd.s32 s8, s19;
	s8 =	sshrl.u32 s9, $0x3;
	[dreg:$0x1e] =	wrdreg s6  }
0x26: {  	s3 =	smov.u32 s10;
	[dreg:$0x7] =	wrdreg s7;
	s12 =	sadd.s32 s8, s19  }
0x27: {  	s7 =	sadd.s32 s17, s19;
	s8 =	sshrl.u32 s18, $0x3;
	[dreg:$0x8] =	wrdreg s12  }
0x28: {  	[dreg:$0xa] =	wrdreg s7;
	s21 =	sadd.s32 s8, s19;
	s8 =	sshrl.u32 s25, $0x3  }
0x29: {  	s7 =	sshrl.u32 s26, $0x3;
	[dreg:$0xb] =	wrdreg s21;
	s8 =	sadd.s32 s19, s8  }
0x2a: {  	s14 =	simm.s32 $0x1;
	s7 =	sadd.s32 s7, s19;
	[dreg:$0x1c] =	wrdreg s8  }
0x2b: {  	s10 =	simm.s32 $0x50;
	s24 =	simm.s32 $0x78;
	[dreg:$0xd] =	wrdreg s7  }
.LBB2_1:
0x2c: {  	[smem:$0x7FA] =	sst s4  }
0x2d: {  	s0 =	rddreg [dreg:$0x11]  }
0x2e: {  	s4 =	rddreg [dreg:$0xf]  }
0x2f: {  	s7 =	rddreg [dreg:$0x12];
	s2 =	sshrl.u32 s0, $0x3  }
0x30: {  	[smem:$0x7FB] =	sst s2  }
0x31: {  	[spmem:s2], [sflag:s7] =	dma.local [hbm:s4], $0x2800  }
0x32: {  	s12 =	simm.s32 $0x0;
	s0 =	rddreg [dreg:$0x13]  }
0x33: {  	[tilespmem:s12], [sflag:$0x1] =	stream.linear.gather [hbm4b:s0+s12], $0xC8, $0x38;
	[tilespmem:$0x1AB00] =	vst v63  }
0x34: {  	s7 =	simm.s32 $0x200;
	s5 =	rddreg [dreg:$0x14]  }
0x35: {  	[tilespmem:s7], [sflag:$0x1] =	stream.linear.gather [hbm4b:s5+s12], $0x28, $0x38;
	[tilespmem:$0x1AB00] =	vst v63  }
0x36: {  	s9 =	simm.s32 $0x280;
	s6 =	rddreg [dreg:$0x15]  }
0x37: {  	[tilespmem:s9], [sflag:$0x1] =	stream.linear.gather [hbm4b:s6+s12], $0x28, $0x38;
	[tilespmem:$0x1AB00] =	vst v63  }
0x38: {  	s11 =	simm.s32 $0x300;
	s8 =	rddreg [dreg:$0x16]  }
0x39: {  	[tilespmem:s11], [sflag:$0x1] =	stream.linear.gather [hbm4b:s8+s12], $0x28, $0x38;
	[tilespmem:$0x1AB00] =	vst v63  }
0x3a: {  	s17 =	simm.s32 $0x380;
	s13 =	rddreg [dreg:$0x17]  }
0x3b: {  	[tilespmem:s17], [sflag:$0x1] =	stream.linear.gather [hbm4b:s13+s12], $0x28, $0x38;
	[tilespmem:$0x1AB00] =	vst v63  }
0x3c: {  	s21 =	simm.s32 $0x400;
	s20 =	rddreg [dreg:$0x18]  }
0x3d: {  	[tilespmem:s21], [sflag:$0x1] =	stream.linear.gather [hbm4b:s20+s12], $0x28, $0x38;
	[tilespmem:$0x1AB00] =	vst v63  }
0x3e: {  	s23 =	simm.s32 $0x100;
	s22 =	rddreg [dreg:$0x19]  }
0x3f: {  	[tilespmem:s23], [sflag:$0x2] =	stream.linear.gather [hbm4b:s22+s12], $0xC8, $0x38;
	[tilespmem:$0x1AB00] =	vst v63  }
0x40: {  	s31 =	simm.s32 $0x480;
	s26 =	rddreg [dreg:$0x1a]  }
0x41: {  	[tilespmem:s31], [sflag:$0x2] =	stream.linear.gather [hbm4b:s26+s12], $0x28, $0x38;
	[tilespmem:$0x1AB00] =	vst v63  }
0x42: {  	s2 =	rddreg [dreg:$0x1b];
	s5 =	simm.s32 $0x500  }
0x43: {  	[tilespmem:s5], [sflag:$0x2] =	stream.linear.gather [hbm4b:s2+s12], $0x28, $0x38;
	[tilespmem:$0x1AB00] =	vst v63  }
0x44: {  	s6 =	rddreg [dreg:$0x1c];
	s8 =	simm.s32 $0x580  }
0x45: {  	[tilespmem:s8], [sflag:$0x2] =	stream.linear.gather [hbm4b:s6+s12], $0x28, $0x38;
	[tilespmem:$0x1AB00] =	vst v63  }
0x46: {  	s13 =	rddreg [dreg:$0x1d];
	s20 =	simm.s32 $0x600  }
0x47: {  	[tilespmem:s20], [sflag:$0x2] =	stream.linear.gather [hbm4b:s13+s12], $0x28, $0x38;
	[tilespmem:$0x1AB00] =	vst v63  }
0x48: {  	s21 =	rddreg [dreg:$0x1e];
	s22 =	simm.s32 $0x680;
	s23 =	simm.s32 $0xD  }
0x49: {  	[tilespmem:s22], [sflag:$0x2] =	stream.linear.gather [hbm4b:s21+s12], $0x28, $0x38;
	[tilespmem:$0x1AB00] =	vst v63  }
0x4a: {  	_ =	swait.ge [sflag:s23], $0x2800  }
0x4b: {  	[sflag:s23] =	ssyncset.done $0x0  }
0x4c: {  	[sflag:s23] =	ssyncadd.s32 $0xFFFFD800  }
0x4d: {  	[bflag:$0x0] =	sbarrier.arrive $0xFFFF  }
0x4e: {  	_ =	swait.ge [sflag:s14], $0xC8  }
0x4f: {  	[sflag:s14] =	ssyncset.done $0x0  }
0x50: {  	[sflag:s14] =	ssyncadd.s32 $0xFFFFFF38  }
0x51: {  	_ =	swait.ge [sflag:s14], $0x28  }
0x52: {  	[sflag:s14] =	ssyncset.done $0x0  }
0x53: {  	[sflag:s14] =	ssyncadd.s32 $0xFFFFFFD8  }
0x54: {  	_ =	swait.ge [sflag:s14], $0x28  }
0x55: {  	[sflag:s14] =	ssyncset.done $0x0  }
0x56: {  	[sflag:s14] =	ssyncadd.s32 $0xFFFFFFD8  }
0x57: {  	_ =	swait.ge [sflag:s14], $0x28  }
0x58: {  	[sflag:s14] =	ssyncset.done $0x0  }
0x59: {  	[sflag:s14] =	ssyncadd.s32 $0xFFFFFFD8  }
0x5a: {  	_ =	swait.ge [sflag:s14], $0x28  }
0x5b: {  	[sflag:s14] =	ssyncset.done $0x0  }
0x5c: {  	[sflag:s14] =	ssyncadd.s32 $0xFFFFFFD8  }
0x5d: {  	_ =	swait.ge [sflag:s14], $0x28  }
0x5e: {  	[sflag:s14] =	ssyncset.done $0x0  }
0x5f: {  	s13 =	simm.s32 $0x700;
	[sflag:s14] =	ssyncadd.s32 $0xFFFFFFD8  }
0x60: {  	[tilespmem:s13], [sflag:$0x3] =	stream.indirect.gather [hbm4b:s16+s15], $0x80, s12, s15, $0xb8;
	[tilespmem:$0x1AB00] =	vst v63  }
0x61: {  	s8 =	simm.s32 $0x1B00  }
0x62: {  	[tilespmem:s8], [sflag:$0x4] =	stream.indirect.gather [hbm4b:s16+s15], $0x80, s15, s15, $0xb8;
	[tilespmem:$0x1AB00] =	vst v63  }
0x63: {  	s5 =	simm.s32 $0x2F00  }
0x64: {  	[tilespmem:s5], [sflag:$0x5] =	stream.indirect.gather [hbm4b:s16+s15], $0x80, s10, s15, $0xb8;
	[tilespmem:$0x1AB00] =	vst v63  }
0x65: {  	s21 =	simm.s32 $0x4300  }
0x66: {  	[tilespmem:s21], [sflag:$0x6] =	stream.indirect.gather [hbm4b:s16+s15], $0x80, s24, s15, $0xb8;
	[tilespmem:$0x1AB00] =	vst v63  }
0x67: {  	s31 =	simm.s32 $0x3;
	s6 =	simm.s32 $0x5700  }
0x68: {  	[tilespmem:s6], [sflag:$0x7] =	stream.indirect.gather [hbm4b:s16+s15], $0x80, s28, s15, $0xb8;
	[tilespmem:$0x1AB00] =	vst v63  }
0x69: {  	_ =	swait.ge [sflag:s31], $0x1400  }
0x6a: {  	[sflag:s31] =	ssyncset.done $0x0  }
0x6b: {  	[sflag:s31] =	ssyncadd.s32 $0xFFFFEC00  }
0x6c: {  	s23 =	simm.s32 $0x4;
	s20 =	rddreg [dreg:$0x2]  }
0x6d: {  	[spmem:s20] =	stream.indirect.scatter.add.f32 [tilespmem:s13], [sflag:$0x8], $0x80, s7, s15, $0xb8;
	[tilespmem:$0x1AB00] =	vst v63  }
0x6e: {  	_ =	swait.ge [sflag:s23], $0x1400  }
0x6f: {  	[sflag:s23] =	ssyncset.done $0x0  }
0x70: {  	s22 =	simm.s32 $0x5;
	[sflag:s23] =	ssyncadd.s32 $0xFFFFEC00  }
0x71: {  	[spmem:s20] =	stream.indirect.scatter.add.f32 [tilespmem:s8], [sflag:$0x9], $0x80, s9, s15, $0xb8;
	[tilespmem:$0x1AB00] =	vst v63  }
0x72: {  	_ =	swait.ge [sflag:s22], $0x1400  }
0x73: {  	[sflag:s22] =	ssyncset.done $0x0  }
0x74: {  	s18 =	simm.s32 $0x300;
	s26 =	simm.s32 $0x6;
	[sflag:s22] =	ssyncadd.s32 $0xFFFFEC00  }
0x75: {  	[spmem:s20] =	stream.indirect.scatter.add.f32 [tilespmem:s5], [sflag:$0xA], $0x80, s18, s15, $0xb8;
	[tilespmem:$0x1AB00] =	vst v63  }
0x76: {  	_ =	swait.ge [sflag:s26], $0x1400  }
0x77: {  	[sflag:s26] =	ssyncset.done $0x0  }
0x78: {  	s17 =	simm.s32 $0x380;
	s2 =	simm.s32 $0x7;
	[sflag:s26] =	ssyncadd.s32 $0xFFFFEC00  }
0x79: {  	[spmem:s20] =	stream.indirect.scatter.add.f32 [tilespmem:s21], [sflag:$0xB], $0x80, s17, s15, $0xb8;
	[tilespmem:$0x1AB00] =	vst v63  }
0x7a: {  	_ =	swait.ge [sflag:s2], $0x1400  }
0x7b: {  	[sflag:s2] =	ssyncset.done $0x0  }
0x7c: {  	s11 =	simm.s32 $0x400;
	[sflag:s2] =	ssyncadd.s32 $0xFFFFEC00  }
0x7d: {  	[spmem:s20] =	stream.indirect.scatter.add.f32 [tilespmem:s6], [sflag:$0xC], $0x80, s11, s15, $0xb8;
	[tilespmem:$0x1AB00] =	vst v63  }
0x7e: {  	_ =	swait.ge [sflag:s1], $0xC8  }
0x7f: {  	[sflag:s1] =	ssyncset.done $0x0  }
0x80: {  	[sflag:s1] =	ssyncadd.s32 $0xFFFFFF38  }
0x81: {  	_ =	swait.ge [sflag:s1], $0x28  }
0x82: {  	[sflag:s1] =	ssyncset.done $0x0  }
0x83: {  	[sflag:s1] =	ssyncadd.s32 $0xFFFFFFD8  }
0x84: {  	_ =	swait.ge [sflag:s1], $0x28  }
0x85: {  	[sflag:s1] =	ssyncset.done $0x0  }
0x86: {  	[sflag:s1] =	ssyncadd.s32 $0xFFFFFFD8  }
0x87: {  	_ =	swait.ge [sflag:s1], $0x28  }
0x88: {  	[sflag:s1] =	ssyncset.done $0x0  }
0x89: {  	[sflag:s1] =	ssyncadd.s32 $0xFFFFFFD8  }
0x8a: {  	_ =	swait.ge [sflag:s1], $0x28  }
0x8b: {  	[sflag:s1] =	ssyncset.done $0x0  }
0x8c: {  	[sflag:s1] =	ssyncadd.s32 $0xFFFFFFD8  }
0x8d: {  	_ =	swait.ge [sflag:s1], $0x28  }
0x8e: {  	[sflag:s1] =	ssyncset.done $0x0  }
0x8f: {  	s18 =	simm.s32 $0x8;
	[sflag:s1] =	ssyncadd.s32 $0xFFFFFFD8  }
0x90: {  	_ =	swait.ge [sflag:s18], $0x1400  }
0x91: {  	[sflag:s18] =	ssyncset.done $0x0  }
0x92: {  	s25 =	simm.s32 $0x100;
	s4 =	simm.s32 $0x9;
	[sflag:s18] =	ssyncadd.s32 $0xFFFFEC00  }
0x93: {  	[tilespmem:s13], [sflag:$0x3] =	stream.indirect.gather [hbm4b:s16+s15], $0x80, s25, s15, $0xb8;
	[tilespmem:$0x1AB00] =	vst v63  }
0x94: {  	_ =	swait.ge [sflag:s4], $0x1400  }
0x95: {  	[sflag:s4] =	ssyncset.done $0x0  }
0x96: {  	s17 =	simm.s32 $0xA;
	s25 =	simm.s32 $0x128;
	[sflag:s4] =	ssyncadd.s32 $0xFFFFEC00  }
0x97: {  	[tilespmem:s8], [sflag:$0x4] =	stream.indirect.gather [hbm4b:s16+s15], $0x80, s25, s15, $0xb8;
	[tilespmem:$0x1AB00] =	vst v63  }
0x98: {  	_ =	swait.ge [sflag:s17], $0x1400  }
0x99: {  	[sflag:s17] =	ssyncset.done $0x0  }
0x9a: {  	s11 =	simm.s32 $0x150;
	[sflag:s17] =	ssyncadd.s32 $0xFFFFEC00  }
0x9b: {  	[tilespmem:s5], [sflag:$0x5] =	stream.indirect.gather [hbm4b:s16+s15], $0x80, s11, s15, $0xb8;
	[tilespmem:$0x1AB00] =	vst v63  }
0x9c: {  	s11 =	simm.s32 $0xB  }
0x9d: {  	_ =	swait.ge [sflag:s11], $0x1400  }
0x9e: {  	[sflag:s11] =	ssyncset.done $0x0  }
0x9f: {  	s25 =	simm.s32 $0x178;
	[sflag:s11] =	ssyncadd.s32 $0xFFFFEC00  }
0xa0: {  	[tilespmem:s21], [sflag:$0x6] =	stream.indirect.gather [hbm4b:s16+s15], $0x80, s25, s15, $0xb8;
	[tilespmem:$0x1AB00] =	vst v63  }
0xa1: {  	s25 =	simm.s32 $0xC  }
0xa2: {  	_ =	swait.ge [sflag:s25], $0x1400  }
0xa3: {  	[sflag:s25] =	ssyncset.done $0x0;
	s0 =	sld [smem:$0x7FD]  }
0xa4: {  	s29 =	simm.s32 $0x1A0;
	[sflag:s25] =	ssyncadd.s32 $0xFFFFEC00  }
0xa5: {  	[tilespmem:s6], [sflag:$0x7] =	stream.indirect.gather [hbm4b:s16+s15], $0x80, s29, s15, $0xb8;
	[tilespmem:$0x1AB00] =	vst v63  }
0xa6: {  	s28 =	sshrl.u32 s0, $0x3  }
0xa7: {  	s29 =	sadd.s32 s3, s28  }
0xa8: {  	[tilespmem:s12], [sflag:$0x1] =	stream.linear.gather [hbm4b:s29+s12], $0xC8, $0x38;
	[tilespmem:$0x1AB00] =	vst v63  }
0xa9: {  	s30 =	rddreg [dreg:$0xd];
	s28 =	sadd.s32 s19, s28  }
0xaa: {  	[tilespmem:s7], [sflag:$0x1] =	stream.linear.gather [hbm4b:s28+s12], $0x28, $0x38;
	[tilespmem:$0x1AB00] =	vst v63  }
0xab: {  	s29 =	rddreg [dreg:$0xc];
	s28 =	sadd.s32 $0x0, s30  }
0xac: {  	[tilespmem:s9], [sflag:$0x1] =	stream.linear.gather [hbm4b:s28+s12], $0x28, $0x38;
	[tilespmem:$0x1AB00] =	vst v63  }
0xad: {  	s30 =	rddreg [dreg:$0xb];
	s28 =	sadd.s32 $0x0, s29;
	s9 =	simm.s32 $0x300  }
0xae: {  	[tilespmem:s9], [sflag:$0x1] =	stream.linear.gather [hbm4b:s28+s12], $0x28, $0x38;
	[tilespmem:$0x1AB00] =	vst v63  }
0xaf: {  	s19 =	simm.s32 $0x380;
	s29 =	rddreg [dreg:$0xa];
	s28 =	sadd.s32 $0x0, s30  }
0xb0: {  	[tilespmem:s19], [sflag:$0x1] =	stream.linear.gather [hbm4b:s28+s12], $0x28, $0x38;
	[tilespmem:$0x1AB00] =	vst v63  }
0xb1: {  	s9 =	simm.s32 $0x400;
	s28 =	sadd.s32 $0x0, s29  }
0xb2: {  	[tilespmem:s9], [sflag:$0x1] =	stream.linear.gather [hbm4b:s28+s12], $0x28, $0x38;
	[tilespmem:$0x1AB00] =	vst v63  }
0xb3: {  	_ =	swait.ge [sflag:s31], $0x1400  }
0xb4: {  	[sflag:s31] =	ssyncset.done $0x0  }
0xb5: {  	s19 =	simm.s32 $0x480;
	[sflag:s31] =	ssyncadd.s32 $0xFFFFEC00  }
0xb6: {  	[spmem:s20] =	stream.indirect.scatter.add.f32 [tilespmem:s13], [sflag:$0x8], $0x80, s19, s15, $0xb8;
	[tilespmem:$0x1AB00] =	vst v63  }
0xb7: {  	_ =	swait.ge [sflag:s23], $0x1400  }
0xb8: {  	[sflag:s23] =	ssyncset.done $0x0  }
0xb9: {  	s9 =	simm.s32 $0x500;
	[sflag:s23] =	ssyncadd.s32 $0xFFFFEC00  }
0xba: {  	[spmem:s20] =	stream.indirect.scatter.add.f32 [tilespmem:s8], [sflag:$0x9], $0x80, s9, s15, $0xb8;
	[tilespmem:$0x1AB00] =	vst v63  }
0xbb: {  	_ =	swait.ge [sflag:s22], $0x1400  }
0xbc: {  	[sflag:s22] =	ssyncset.done $0x0  }
0xbd: {  	s7 =	simm.s32 $0x580;
	[sflag:s22] =	ssyncadd.s32 $0xFFFFEC00  }
0xbe: {  	[spmem:s20] =	stream.indirect.scatter.add.f32 [tilespmem:s5], [sflag:$0xA], $0x80, s7, s15, $0xb8;
	[tilespmem:$0x1AB00] =	vst v63  }
0xbf: {  	_ =	swait.ge [sflag:s26], $0x1400  }
0xc0: {  	[sflag:s26] =	ssyncset.done $0x0  }
0xc1: {  	s22 =	simm.s32 $0x600;
	[sflag:s26] =	ssyncadd.s32 $0xFFFFEC00  }
0xc2: {  	[spmem:s20] =	stream.indirect.scatter.add.f32 [tilespmem:s21], [sflag:$0xB], $0x80, s22, s15, $0xb8;
	[tilespmem:$0x1AB00] =	vst v63  }
0xc3: {  	_ =	swait.ge [sflag:s2], $0x1400  }
0xc4: {  	[sflag:s2] =	ssyncset.done $0x0  }
0xc5: {  	s23 =	simm.s32 $0x680;
	[sflag:s2] =	ssyncadd.s32 $0xFFFFEC00  }
0xc6: {  	[spmem:s20] =	stream.indirect.scatter.add.f32 [tilespmem:s6], [sflag:$0xC], $0x80, s23, s15, $0xb8;
	[tilespmem:$0x1AB00] =	vst v63  }
0xc7: {  	_ =	swait.ge [sflag:s14], $0xC8  }
0xc8: {  	[sflag:s14] =	ssyncset.done $0x0  }
0xc9: {  	[sflag:s14] =	ssyncadd.s32 $0xFFFFFF38  }
0xca: {  	_ =	swait.ge [sflag:s14], $0x28  }
0xcb: {  	[sflag:s14] =	ssyncset.done $0x0  }
0xcc: {  	[sflag:s14] =	ssyncadd.s32 $0xFFFFFFD8  }
0xcd: {  	_ =	swait.ge [sflag:s14], $0x28  }
0xce: {  	[sflag:s14] =	ssyncset.done $0x0  }
0xcf: {  	[sflag:s14] =	ssyncadd.s32 $0xFFFFFFD8  }
0xd0: {  	_ =	swait.ge [sflag:s14], $0x28  }
0xd1: {  	[sflag:s14] =	ssyncset.done $0x0  }
0xd2: {  	[sflag:s14] =	ssyncadd.s32 $0xFFFFFFD8  }
0xd3: {  	_ =	swait.ge [sflag:s14], $0x28  }
0xd4: {  	[sflag:s14] =	ssyncset.done $0x0  }
0xd5: {  	[sflag:s14] =	ssyncadd.s32 $0xFFFFFFD8  }
0xd6: {  	_ =	swait.ge [sflag:s14], $0x28  }
0xd7: {  	[sflag:s14] =	ssyncset.done $0x0  }
0xd8: {  	[sflag:s14] =	ssyncadd.s32 $0xFFFFFFD8  }
0xd9: {  	_ =	swait.ge [sflag:s18], $0x1400  }
0xda: {  	[sflag:s18] =	ssyncset.done $0x0  }
0xdb: {  	[sflag:s18] =	ssyncadd.s32 $0xFFFFEC00  }
0xdc: {  	[tilespmem:s13], [sflag:$0x3] =	stream.indirect.gather [hbm4b:s16+s15], $0x80, s12, s15, $0xb8;
	[tilespmem:$0x1AB00] =	vst v63  }
0xdd: {  	_ =	swait.ge [sflag:s4], $0x1400  }
0xde: {  	[sflag:s4] =	ssyncset.done $0x0  }
0xdf: {  	[sflag:s4] =	ssyncadd.s32 $0xFFFFEC00  }
0xe0: {  	[tilespmem:s8], [sflag:$0x4] =	stream.indirect.gather [hbm4b:s16+s15], $0x80, s15, s15, $0xb8;
	[tilespmem:$0x1AB00] =	vst v63  }
0xe1: {  	_ =	swait.ge [sflag:s17], $0x1400  }
0xe2: {  	[sflag:s17] =	ssyncset.done $0x0  }
0xe3: {  	[sflag:s17] =	ssyncadd.s32 $0xFFFFEC00  }
0xe4: {  	[tilespmem:s5], [sflag:$0x5] =	stream.indirect.gather [hbm4b:s16+s15], $0x80, s10, s15, $0xb8;
	[tilespmem:$0x1AB00] =	vst v63  }
0xe5: {  	_ =	swait.ge [sflag:s11], $0x1400  }
0xe6: {  	[sflag:s11] =	ssyncset.done $0x0  }
0xe7: {  	[sflag:s11] =	ssyncadd.s32 $0xFFFFEC00  }
0xe8: {  	[tilespmem:s21], [sflag:$0x6] =	stream.indirect.gather [hbm4b:s16+s15], $0x80, s24, s15, $0xb8;
	[tilespmem:$0x1AB00] =	vst v63  }
0xe9: {  	_ =	swait.ge [sflag:s25], $0x1400  }
0xea: {  	[sflag:s25] =	ssyncset.done $0x0  }
0xeb: {  	s28 =	rddreg [dreg:$0x5];
	[sflag:s25] =	ssyncadd.s32 $0xFFFFEC00;
	s25 =	simm.s32 $0xA0  }
0xec: {  	[tilespmem:s6], [sflag:$0x7] =	stream.indirect.gather [hbm4b:s16+s15], $0x80, s25, s15, $0xb8;
	[tilespmem:$0x1AB00] =	vst v63  }
0xed: {  	s26 =	simm.s32 $0x100;
	s29 =	rddreg [dreg:$0x4];
	s28 =	sadd.s32 $0x0, s28  }
0xee: {  	[tilespmem:s26], [sflag:$0x2] =	stream.linear.gather [hbm4b:s28+s12], $0xC8, $0x38;
	[tilespmem:$0x1AB00] =	vst v63  }
0xef: {  	s30 =	rddreg [dreg:$0x9];
	s28 =	sadd.s32 $0x0, s29  }
0xf0: {  	[tilespmem:s19], [sflag:$0x2] =	stream.linear.gather [hbm4b:s28+s12], $0x28, $0x38;
	[tilespmem:$0x1AB00] =	vst v63  }
0xf1: {  	s29 =	rddreg [dreg:$0x8];
	s28 =	sadd.s32 $0x0, s30  }
0xf2: {  	[tilespmem:s9], [sflag:$0x2] =	stream.linear.gather [hbm4b:s28+s12], $0x28, $0x38;
	[tilespmem:$0x1AB00] =	vst v63  }
0xf3: {  	s30 =	rddreg [dreg:$0x7];
	s28 =	sadd.s32 $0x0, s29  }
0xf4: {  	[tilespmem:s7], [sflag:$0x2] =	stream.linear.gather [hbm4b:s28+s12], $0x28, $0x38;
	[tilespmem:$0x1AB00] =	vst v63  }
0xf5: {  	s29 =	rddreg [dreg:$0x6];
	s28 =	sadd.s32 $0x0, s30  }
0xf6: {  	[tilespmem:s22], [sflag:$0x2] =	stream.linear.gather [hbm4b:s28+s12], $0x28, $0x38;
	[tilespmem:$0x1AB00] =	vst v63  }
0xf7: {  	s30 =	sadd.s32 $0x0, s29;
	s29 =	sadd.s32 $0x190, s0;
	s28 =	simm.s32 $0x32  }
.LBB2_2:
0xf8: {  	s0 =	simm.s32 $0x680;
	s11 =	simm.s32 $0x0;
	s12 =	simm.s32 $0x3  }
0xf9: {  	[tilespmem:s0], [sflag:$0x2] =	stream.linear.gather [hbm4b:s30+s11], $0x28, $0x38;
	[tilespmem:$0x1AB00] =	vst v63  }
0xfa: {  	_ =	swait.ge [sflag:s12], $0x1400  }
0xfb: {  	[sflag:s12] =	ssyncset.done $0x0  }
0xfc: {  	s22 =	simm.s32 $0x200;
	[sflag:s12] =	ssyncadd.s32 $0xFFFFEC00  }
0xfd: {  	s20 =	simm.s32 $0x700;
	s23 =	simm.s32 $0x4;
	s10 =	rddreg [dreg:$0x2]  }
0xfe: {  	[spmem:s10] =	stream.indirect.scatter.add.f32 [tilespmem:s20], [sflag:$0x8], $0x80, s22, s15, $0xb8;
	[tilespmem:$0x1AB00] =	vst v63  }
0xff: {  	_ =	swait.ge [sflag:s23], $0x1400  }
0x100: {  	s9 =	simm.s32 $0x280;
	[sflag:s23] =	ssyncset.done $0x0  }
0x101: {  	s8 =	simm.s32 $0x1B00;
	s24 =	simm.s32 $0x5;
	[sflag:s23] =	ssyncadd.s32 $0xFFFFEC00  }
0x102: {  	[spmem:s10] =	stream.indirect.scatter.add.f32 [tilespmem:s8], [sflag:$0x9], $0x80, s9, s15, $0xb8;
	[tilespmem:$0x1AB00] =	vst v63  }
0x103: {  	_ =	swait.ge [sflag:s24], $0x1400  }
0x104: {  	[sflag:s24] =	ssyncset.done $0x0  }
0x105: {  	s6 =	simm.s32 $0x300;
	s26 =	simm.s32 $0x2F00;
	[sflag:s24] =	ssyncadd.s32 $0xFFFFEC00  }
0x106: {  	[spmem:s10] =	stream.indirect.scatter.add.f32 [tilespmem:s26], [sflag:$0xA], $0x80, s6, s15, $0xb8;
	[tilespmem:$0x1AB00] =	vst v63  }
0x107: {  	s26 =	simm.s32 $0x6  }
0x108: {  	_ =	swait.ge [sflag:s26], $0x1400  }
0x109: {  	s17 =	simm.s32 $0x380;
	[sflag:s26] =	ssyncset.done $0x0  }
0x10a: {  	s21 =	simm.s32 $0x4300;
	s2 =	simm.s32 $0x7;
	[sflag:s26] =	ssyncadd.s32 $0xFFFFEC00  }
0x10b: {  	[spmem:s10] =	stream.indirect.scatter.add.f32 [tilespmem:s21], [sflag:$0xB], $0x80, s17, s15, $0xb8;
	[tilespmem:$0x1AB00] =	vst v63  }
0x10c: {  	_ =	swait.ge [sflag:s2], $0x1400  }
0x10d: {  	[sflag:s2] =	ssyncset.done $0x0  }
0x10e: {  	s18 =	simm.s32 $0x400;
	s31 =	simm.s32 $0x5700;
	[sflag:s2] =	ssyncadd.s32 $0xFFFFEC00  }
0x10f: {  	[spmem:s10] =	stream.indirect.scatter.add.f32 [tilespmem:s31], [sflag:$0xC], $0x80, s18, s15, $0xb8;
	[tilespmem:$0x1AB00] =	vst v63  }
0x110: {  	_ =	swait.ge [sflag:s1], $0xC8  }
0x111: {  	[sflag:s1] =	ssyncset.done $0x0  }
0x112: {  	[sflag:s1] =	ssyncadd.s32 $0xFFFFFF38  }
0x113: {  	_ =	swait.ge [sflag:s1], $0x28  }
0x114: {  	[sflag:s1] =	ssyncset.done $0x0  }
0x115: {  	[sflag:s1] =	ssyncadd.s32 $0xFFFFFFD8  }
0x116: {  	_ =	swait.ge [sflag:s1], $0x28  }
0x117: {  	[sflag:s1] =	ssyncset.done $0x0  }
0x118: {  	[sflag:s1] =	ssyncadd.s32 $0xFFFFFFD8  }
0x119: {  	_ =	swait.ge [sflag:s1], $0x28  }
0x11a: {  	[sflag:s1] =	ssyncset.done $0x0  }
0x11b: {  	[sflag:s1] =	ssyncadd.s32 $0xFFFFFFD8  }
0x11c: {  	_ =	swait.ge [sflag:s1], $0x28  }
0x11d: {  	[sflag:s1] =	ssyncset.done $0x0  }
0x11e: {  	[sflag:s1] =	ssyncadd.s32 $0xFFFFFFD8  }
0x11f: {  	_ =	swait.ge [sflag:s1], $0x28  }
0x120: {  	[sflag:s1] =	ssyncset.done $0x0  }
0x121: {  	s13 =	simm.s32 $0x8;
	[sflag:s1] =	ssyncadd.s32 $0xFFFFFFD8  }
0x122: {  	_ =	swait.ge [sflag:s13], $0x1400  }
0x123: {  	[sflag:s13] =	ssyncset.done $0x0  }
0x124: {  	s4 =	simm.s32 $0x100;
	[sflag:s13] =	ssyncadd.s32 $0xFFFFEC00  }
0x125: {  	[tilespmem:s20], [sflag:$0x3] =	stream.indirect.gather [hbm4b:s16+s15], $0x80, s4, s15, $0xb8;
	[tilespmem:$0x1AB00] =	vst v63  }
0x126: {  	s4 =	simm.s32 $0x9  }
0x127: {  	_ =	swait.ge [sflag:s4], $0x1400  }
0x128: {  	[sflag:s4] =	ssyncset.done $0x0  }
0x129: {  	s5 =	simm.s32 $0x128;
	[sflag:s4] =	ssyncadd.s32 $0xFFFFEC00  }
0x12a: {  	[tilespmem:s8], [sflag:$0x4] =	stream.indirect.gather [hbm4b:s16+s15], $0x80, s5, s15, $0xb8;
	[tilespmem:$0x1AB00] =	vst v63  }
0x12b: {  	s5 =	simm.s32 $0xA  }
0x12c: {  	_ =	swait.ge [sflag:s5], $0x1400  }
0x12d: {  	[sflag:s5] =	ssyncset.done $0x0  }
0x12e: {  	s19 =	simm.s32 $0x2F00;
	s25 =	simm.s32 $0x150;
	[sflag:s5] =	ssyncadd.s32 $0xFFFFEC00  }
0x12f: {  	[tilespmem:s19], [sflag:$0x5] =	stream.indirect.gather [hbm4b:s16+s15], $0x80, s25, s15, $0xb8;
	[tilespmem:$0x1AB00] =	vst v63  }
0x130: {  	s19 =	simm.s32 $0xB  }
0x131: {  	_ =	swait.ge [sflag:s19], $0x1400  }
0x132: {  	[sflag:s19] =	ssyncset.done $0x0  }
0x133: {  	s31 =	simm.s32 $0x178;
	s25 =	simm.s32 $0xC;
	[sflag:s19] =	ssyncadd.s32 $0xFFFFEC00  }
0x134: {  	[tilespmem:s21], [sflag:$0x6] =	stream.indirect.gather [hbm4b:s16+s15], $0x80, s31, s15, $0xb8;
	[tilespmem:$0x1AB00] =	vst v63  }
0x135: {  	_ =	swait.ge [sflag:s25], $0x1400  }
0x136: {  	s7 =	simm.s32 $0x5700;
	[sflag:s25] =	ssyncset.done $0x0  }
0x137: {  	s0 =	simm.s32 $0x1A0;
	s31 =	sshrl.u32 s29, $0x3;
	[sflag:s25] =	ssyncadd.s32 $0xFFFFEC00  }
0x138: {  	[tilespmem:s7], [sflag:$0x7] =	stream.indirect.gather [hbm4b:s16+s15], $0x80, s0, s15, $0xb8;
	[tilespmem:$0x1AB00] =	vst v63  }
0x139: {  	s0 =	sadd.s32 s3, s31  }
0x13a: {  	[tilespmem:s11], [sflag:$0x1] =	stream.linear.gather [hbm4b:s0+s11], $0xC8, $0x38;
	[tilespmem:$0x1AB00] =	vst v63  }
0x13b: {  	s30 =	smov.u32 s28;
	s0 =	rddreg [dreg:$0xe]  }
0x13c: {  	s7 =	smov.u32 s3;
	s3 =	rddreg [dreg:$0xd];
	s0 =	sadd.s32 s0, s31  }
0x13d: {  	[tilespmem:s22], [sflag:$0x1] =	stream.linear.gather [hbm4b:s0+s11], $0x28, $0x38;
	[tilespmem:$0x1AB00] =	vst v63  }
0x13e: {  	s31 =	rddreg [dreg:$0xc];
	s22 =	sadd.s32 s30, s3  }
0x13f: {  	[tilespmem:s9], [sflag:$0x1] =	stream.linear.gather [hbm4b:s22+s11], $0x28, $0x38;
	[tilespmem:$0x1AB00] =	vst v63  }
0x140: {  	s3 =	rddreg [dreg:$0xb];
	s0 =	sadd.s32 s30, s31  }
0x141: {  	[tilespmem:s6], [sflag:$0x1] =	stream.linear.gather [hbm4b:s0+s11], $0x28, $0x38;
	[tilespmem:$0x1AB00] =	vst v63  }
0x142: {  	s22 =	rddreg [dreg:$0xa];
	s6 =	sadd.s32 s30, s3  }
0x143: {  	[tilespmem:s17], [sflag:$0x1] =	stream.linear.gather [hbm4b:s6+s11], $0x28, $0x38;
	[tilespmem:$0x1AB00] =	vst v63  }
0x144: {  	s22 =	sadd.s32 s30, s22  }
0x145: {  	[tilespmem:s18], [sflag:$0x1] =	stream.linear.gather [hbm4b:s22+s11], $0x28, $0x38;
	[tilespmem:$0x1AB00] =	vst v63  }
0x146: {  	_ =	swait.ge [sflag:s12], $0x1400  }
0x147: {  	[sflag:s12] =	ssyncset.done $0x0  }
0x148: {  	s22 =	simm.s32 $0x480;
	[sflag:s12] =	ssyncadd.s32 $0xFFFFEC00  }
0x149: {  	[spmem:s10] =	stream.indirect.scatter.add.f32 [tilespmem:s20], [sflag:$0x8], $0x80, s22, s15, $0xb8;
	[tilespmem:$0x1AB00] =	vst v63  }
0x14a: {  	_ =	swait.ge [sflag:s23], $0x1400  }
0x14b: {  	[sflag:s23] =	ssyncset.done $0x0  }
0x14c: {  	[sflag:s23] =	ssyncadd.s32 $0xFFFFEC00;
	s23 =	simm.s32 $0x500  }
0x14d: {  	[spmem:s10] =	stream.indirect.scatter.add.f32 [tilespmem:s8], [sflag:$0x9], $0x80, s23, s15, $0xb8;
	[tilespmem:$0x1AB00] =	vst v63  }
0x14e: {  	_ =	swait.ge [sflag:s24], $0x1400  }
0x14f: {  	[sflag:s24] =	ssyncset.done $0x0  }
0x150: {  	s31 =	simm.s32 $0x2F00;
	[sflag:s24] =	ssyncadd.s32 $0xFFFFEC00;
	s24 =	simm.s32 $0x580  }
0x151: {  	[spmem:s10] =	stream.indirect.scatter.add.f32 [tilespmem:s31], [sflag:$0xA], $0x80, s24, s15, $0xb8;
	[tilespmem:$0x1AB00] =	vst v63  }
0x152: {  	_ =	swait.ge [sflag:s26], $0x1400  }
0x153: {  	[sflag:s26] =	ssyncset.done $0x0  }
0x154: {  	s12 =	simm.s32 $0x600;
	[sflag:s26] =	ssyncadd.s32 $0xFFFFEC00  }
0x155: {  	[spmem:s10] =	stream.indirect.scatter.add.f32 [tilespmem:s21], [sflag:$0xB], $0x80, s12, s15, $0xb8;
	[tilespmem:$0x1AB00] =	vst v63  }
0x156: {  	_ =	swait.ge [sflag:s2], $0x1400  }
0x157: {  	[sflag:s2] =	ssyncset.done $0x0  }
0x158: {  	s3 =	simm.s32 $0x5700;
	s18 =	simm.s32 $0x680;
	[sflag:s2] =	ssyncadd.s32 $0xFFFFEC00  }
0x159: {  	[spmem:s10] =	stream.indirect.scatter.add.f32 [tilespmem:s3], [sflag:$0xC], $0x80, s18, s15, $0xb8;
	[tilespmem:$0x1AB00] =	vst v63  }
0x15a: {  	_ =	swait.ge [sflag:s14], $0xC8  }
0x15b: {  	[sflag:s14] =	ssyncset.done $0x0  }
0x15c: {  	[sflag:s14] =	ssyncadd.s32 $0xFFFFFF38  }
0x15d: {  	_ =	swait.ge [sflag:s14], $0x28  }
0x15e: {  	[sflag:s14] =	ssyncset.done $0x0  }
0x15f: {  	[sflag:s14] =	ssyncadd.s32 $0xFFFFFFD8  }
0x160: {  	_ =	swait.ge [sflag:s14], $0x28  }
0x161: {  	[sflag:s14] =	ssyncset.done $0x0  }
0x162: {  	[sflag:s14] =	ssyncadd.s32 $0xFFFFFFD8  }
0x163: {  	_ =	swait.ge [sflag:s14], $0x28  }
0x164: {  	[sflag:s14] =	ssyncset.done $0x0  }
0x165: {  	[sflag:s14] =	ssyncadd.s32 $0xFFFFFFD8  }
0x166: {  	_ =	swait.ge [sflag:s14], $0x28  }
0x167: {  	[sflag:s14] =	ssyncset.done $0x0  }
0x168: {  	[sflag:s14] =	ssyncadd.s32 $0xFFFFFFD8  }
0x169: {  	_ =	swait.ge [sflag:s14], $0x28  }
0x16a: {  	[sflag:s14] =	ssyncset.done $0x0  }
0x16b: {  	[sflag:s14] =	ssyncadd.s32 $0xFFFFFFD8  }
0x16c: {  	_ =	swait.ge [sflag:s13], $0x1400  }
0x16d: {  	[sflag:s13] =	ssyncset.done $0x0  }
0x16e: {  	[sflag:s13] =	ssyncadd.s32 $0xFFFFEC00  }
0x16f: {  	[tilespmem:s20], [sflag:$0x3] =	stream.indirect.gather [hbm4b:s16+s15], $0x80, s11, s15, $0xb8;
	[tilespmem:$0x1AB00] =	vst v63  }
0x170: {  	_ =	swait.ge [sflag:s4], $0x1400  }
0x171: {  	[sflag:s4] =	ssyncset.done $0x0  }
0x172: {  	[sflag:s4] =	ssyncadd.s32 $0xFFFFEC00  }
0x173: {  	[tilespmem:s8], [sflag:$0x4] =	stream.indirect.gather [hbm4b:s16+s15], $0x80, s15, s15, $0xb8;
	[tilespmem:$0x1AB00] =	vst v63  }
0x174: {  	_ =	swait.ge [sflag:s5], $0x1400  }
0x175: {  	[sflag:s5] =	ssyncset.done $0x0  }
0x176: {  	s10 =	simm.s32 $0x50;
	[sflag:s5] =	ssyncadd.s32 $0xFFFFEC00  }
0x177: {  	[tilespmem:s31], [sflag:$0x5] =	stream.indirect.gather [hbm4b:s16+s15], $0x80, s10, s15, $0xb8;
	[tilespmem:$0x1AB00] =	vst v63  }
0x178: {  	_ =	swait.ge [sflag:s19], $0x1400  }
0x179: {  	p0 =	sne.s32 s28, $0x47E;
	s28 =	sadd.s32 $0x32, s28;
	[sflag:s19] =	ssyncset.done $0x0  }
0x17a: {  	s29 =	sadd.s32 $0x190, s29;
	s20 =	simm.s32 $0x78;
	[sflag:s19] =	ssyncadd.s32 $0xFFFFEC00  }
0x17b: {  	[tilespmem:s21], [sflag:$0x6] =	stream.indirect.gather [hbm4b:s16+s15], $0x80, s20, s15, $0xb8;
	[tilespmem:$0x1AB00] =	vst v63  }
0x17c: {  	s9 =	simm.s32 $0x300;
	s17 =	simm.s32 $0x400;
	_ =	swait.ge [sflag:s25], $0x1400  }
0x17d: {  	s6 =	simm.s32 $0x100;
	[sflag:s25] =	ssyncset.done $0x0;
	s21 =	rddreg [dreg:$0x5]  }
0x17e: {  	s4 =	simm.s32 $0xA0;
	s26 =	rddreg [dreg:$0x4];
	[sflag:s25] =	ssyncadd.s32 $0xFFFFEC00  }
0x17f: {  	[tilespmem:s3], [sflag:$0x7] =	stream.indirect.gather [hbm4b:s16+s15], $0x80, s4, s15, $0xb8;
	[tilespmem:$0x1AB00] =	vst v63  }
0x180: {  	s2 =	simm.s32 $0x0;
	s5 =	rddreg [dreg:$0x9];
	s0 =	sadd.s32 s30, s21  }
0x181: {  	[tilespmem:s6], [sflag:$0x2] =	stream.linear.gather [hbm4b:s0+s11], $0xC8, $0x38;
	[tilespmem:$0x1AB00] =	vst v63  }
0x182: {  	s18 =	simm.s32 $0x100;
	s13 =	rddreg [dreg:$0x8];
	s8 =	sadd.s32 s30, s26  }
0x183: {  	[tilespmem:s22], [sflag:$0x2] =	stream.linear.gather [hbm4b:s8+s11], $0x28, $0x38;
	[tilespmem:$0x1AB00] =	vst v63  }
0x184: {  	s20 =	simm.s32 $0x480;
	s19 =	sadd.s32 s30, s5;
	s21 =	rddreg [dreg:$0x7]  }
0x185: {  	[tilespmem:s23], [sflag:$0x2] =	stream.linear.gather [hbm4b:s19+s11], $0x28, $0x38;
	[tilespmem:$0x1AB00] =	vst v63  }
.Ltmp0:
0x186: {  	s25 =	sadd.s32 s30, s13;
	s26 =	rddreg [dreg:$0x6];
	(pc) =	sbr.rel @p0 .LBB2_2-.Ltmp0, $4  }
0x187: {  	s31 =	sadd.s32 s30, s21;
	s30 =	sadd.s32 s30, s26;
	s3 =	smov.u32 s7  }
0x188: {  	[tilespmem:s24], [sflag:$0x2] =	stream.linear.gather [hbm4b:s25+s11], $0x28, $0x38;
	[tilespmem:$0x1AB00] =	vst v63  }
0x189: {  	s22 =	simm.s32 $0x500;
	s23 =	simm.s32 $0x580;
	s24 =	simm.s32 $0x600  }
0x18a: {  	[tilespmem:s12], [sflag:$0x2] =	stream.linear.gather [hbm4b:s31+s11], $0x28, $0x38;
	[tilespmem:$0x1AB00] =	vst v63  }
0x18b: {  	s0 =	simm.s32 $0x680;
	s12 =	simm.s32 $0x3  }
0x18c: {  	[tilespmem:s0], [sflag:$0x2] =	stream.linear.gather [hbm4b:s30+s2], $0x28, $0x38;
	[tilespmem:$0x1AB00] =	vst v63  }
0x18d: {  	_ =	swait.ge [sflag:s12], $0x1400  }
0x18e: {  	[sflag:s12] =	ssyncset.done $0x0  }
0x18f: {  	[sflag:s12] =	ssyncadd.s32 $0xFFFFEC00  }
0x190: {  	s7 =	simm.s32 $0x700;
	s13 =	simm.s32 $0x200;
	s21 =	rddreg [dreg:$0x2]  }
0x191: {  	[spmem:s21] =	stream.indirect.scatter.add.f32 [tilespmem:s7], [sflag:$0x8], $0x80, s13, s15, $0xb8;
	[tilespmem:$0x1AB00] =	vst v63  }
0x192: {  	s13 =	simm.s32 $0x4  }
0x193: {  	_ =	swait.ge [sflag:s13], $0x1400  }
0x194: {  	s8 =	simm.s32 $0x1B00;
	[sflag:s13] =	ssyncset.done $0x0  }
0x195: {  	s19 =	simm.s32 $0x280;
	s11 =	simm.s32 $0x5;
	[sflag:s13] =	ssyncadd.s32 $0xFFFFEC00  }
0x196: {  	[spmem:s21] =	stream.indirect.scatter.add.f32 [tilespmem:s8], [sflag:$0x9], $0x80, s19, s15, $0xb8;
	[tilespmem:$0x1AB00] =	vst v63  }
0x197: {  	_ =	swait.ge [sflag:s11], $0x1400  }
0x198: {  	[sflag:s11] =	ssyncset.done $0x0  }
0x199: {  	s5 =	simm.s32 $0x6;
	s19 =	simm.s32 $0x2F00;
	[sflag:s11] =	ssyncadd.s32 $0xFFFFEC00  }
0x19a: {  	[spmem:s21] =	stream.indirect.scatter.add.f32 [tilespmem:s19], [sflag:$0xA], $0x80, s9, s15, $0xb8;
	[tilespmem:$0x1AB00] =	vst v63  }
0x19b: {  	_ =	swait.ge [sflag:s5], $0x1400  }
0x19c: {  	s25 =	simm.s32 $0x380;
	[sflag:s5] =	ssyncset.done $0x0  }
0x19d: {  	s2 =	simm.s32 $0x7;
	s9 =	simm.s32 $0x4300;
	[sflag:s5] =	ssyncadd.s32 $0xFFFFEC00  }
0x19e: {  	[spmem:s21] =	stream.indirect.scatter.add.f32 [tilespmem:s9], [sflag:$0xB], $0x80, s25, s15, $0xb8;
	[tilespmem:$0x1AB00] =	vst v63  }
0x19f: {  	_ =	swait.ge [sflag:s2], $0x1400  }
0x1a0: {  	[sflag:s2] =	ssyncset.done $0x0  }
0x1a1: {  	s6 =	simm.s32 $0x5700;
	[sflag:s2] =	ssyncadd.s32 $0xFFFFEC00  }
0x1a2: {  	[spmem:s21] =	stream.indirect.scatter.add.f32 [tilespmem:s6], [sflag:$0xC], $0x80, s17, s15, $0xb8;
	[tilespmem:$0x1AB00] =	vst v63  }
0x1a3: {  	_ =	swait.ge [sflag:s1], $0xC8  }
0x1a4: {  	[sflag:s1] =	ssyncset.done $0x0  }
0x1a5: {  	[sflag:s1] =	ssyncadd.s32 $0xFFFFFF38  }
0x1a6: {  	_ =	swait.ge [sflag:s1], $0x28  }
0x1a7: {  	[sflag:s1] =	ssyncset.done $0x0  }
0x1a8: {  	[sflag:s1] =	ssyncadd.s32 $0xFFFFFFD8  }
0x1a9: {  	_ =	swait.ge [sflag:s1], $0x28  }
0x1aa: {  	[sflag:s1] =	ssyncset.done $0x0  }
0x1ab: {  	[sflag:s1] =	ssyncadd.s32 $0xFFFFFFD8  }
0x1ac: {  	_ =	swait.ge [sflag:s1], $0x28  }
0x1ad: {  	[sflag:s1] =	ssyncset.done $0x0  }
0x1ae: {  	[sflag:s1] =	ssyncadd.s32 $0xFFFFFFD8  }
0x1af: {  	_ =	swait.ge [sflag:s1], $0x28  }
0x1b0: {  	[sflag:s1] =	ssyncset.done $0x0  }
0x1b1: {  	[sflag:s1] =	ssyncadd.s32 $0xFFFFFFD8  }
0x1b2: {  	_ =	swait.ge [sflag:s1], $0x28  }
0x1b3: {  	[sflag:s1] =	ssyncset.done $0x0  }
0x1b4: {  	s25 =	simm.s32 $0x8;
	[sflag:s1] =	ssyncadd.s32 $0xFFFFFFD8  }
0x1b5: {  	_ =	swait.ge [sflag:s25], $0x1400  }
0x1b6: {  	[sflag:s25] =	ssyncset.done $0x0  }
0x1b7: {  	s4 =	simm.s32 $0x9;
	[sflag:s25] =	ssyncadd.s32 $0xFFFFEC00  }
0x1b8: {  	[tilespmem:s7], [sflag:$0x3] =	stream.indirect.gather [hbm4b:s16+s15], $0x80, s18, s15, $0xb8;
	[tilespmem:$0x1AB00] =	vst v63  }
0x1b9: {  	_ =	swait.ge [sflag:s4], $0x1400  }
0x1ba: {  	[sflag:s4] =	ssyncset.done $0x0  }
0x1bb: {  	s26 =	simm.s32 $0x128;
	s17 =	simm.s32 $0xA;
	[sflag:s4] =	ssyncadd.s32 $0xFFFFEC00  }
0x1bc: {  	[tilespmem:s8], [sflag:$0x4] =	stream.indirect.gather [hbm4b:s16+s15], $0x80, s26, s15, $0xb8;
	[tilespmem:$0x1AB00] =	vst v63  }
0x1bd: {  	_ =	swait.ge [sflag:s17], $0x1400  }
0x1be: {  	[sflag:s17] =	ssyncset.done $0x0  }
0x1bf: {  	s29 =	simm.s32 $0x150;
	s30 =	simm.s32 $0xB;
	[sflag:s17] =	ssyncadd.s32 $0xFFFFEC00  }
0x1c0: {  	[tilespmem:s19], [sflag:$0x5] =	stream.indirect.gather [hbm4b:s16+s15], $0x80, s29, s15, $0xb8;
	[tilespmem:$0x1AB00] =	vst v63  }
0x1c1: {  	_ =	swait.ge [sflag:s30], $0x1400  }
0x1c2: {  	[sflag:s30] =	ssyncset.done $0x0  }
0x1c3: {  	s31 =	simm.s32 $0xC;
	s26 =	simm.s32 $0x178;
	[sflag:s30] =	ssyncadd.s32 $0xFFFFEC00  }
0x1c4: {  	[tilespmem:s9], [sflag:$0x6] =	stream.indirect.gather [hbm4b:s16+s15], $0x80, s26, s15, $0xb8;
	[tilespmem:$0x1AB00] =	vst v63  }
0x1c5: {  	_ =	swait.ge [sflag:s31], $0x1400  }
0x1c6: {  	[sflag:s31] =	ssyncset.done $0x0  }
0x1c7: {  	s28 =	simm.s32 $0x1A0;
	[sflag:s31] =	ssyncadd.s32 $0xFFFFEC00  }
0x1c8: {  	[tilespmem:s6], [sflag:$0x7] =	stream.indirect.gather [hbm4b:s16+s15], $0x80, s28, s15, $0xb8;
	[tilespmem:$0x1AB00] =	vst v63  }
0x1c9: {  	_ =	swait.ge [sflag:s12], $0x1400  }
0x1ca: {  	[sflag:s12] =	ssyncset.done $0x0  }
0x1cb: {  	[sflag:s12] =	ssyncadd.s32 $0xFFFFEC00  }
0x1cc: {  	[spmem:s21] =	stream.indirect.scatter.add.f32 [tilespmem:s7], [sflag:$0x8], $0x80, s20, s15, $0xb8;
	[tilespmem:$0x1AB00] =	vst v63  }
0x1cd: {  	_ =	swait.ge [sflag:s13], $0x1400  }
0x1ce: {  	[sflag:s13] =	ssyncset.done $0x0  }
0x1cf: {  	[sflag:s13] =	ssyncadd.s32 $0xFFFFEC00  }
0x1d0: {  	[spmem:s21] =	stream.indirect.scatter.add.f32 [tilespmem:s8], [sflag:$0x9], $0x80, s22, s15, $0xb8;
	[tilespmem:$0x1AB00] =	vst v63  }
0x1d1: {  	_ =	swait.ge [sflag:s11], $0x1400  }
0x1d2: {  	[sflag:s11] =	ssyncset.done $0x0  }
0x1d3: {  	[sflag:s11] =	ssyncadd.s32 $0xFFFFEC00  }
0x1d4: {  	[spmem:s21] =	stream.indirect.scatter.add.f32 [tilespmem:s19], [sflag:$0xA], $0x80, s23, s15, $0xb8;
	[tilespmem:$0x1AB00] =	vst v63  }
0x1d5: {  	_ =	swait.ge [sflag:s5], $0x1400  }
0x1d6: {  	[sflag:s5] =	ssyncset.done $0x0  }
0x1d7: {  	[sflag:s5] =	ssyncadd.s32 $0xFFFFEC00  }
0x1d8: {  	[spmem:s21] =	stream.indirect.scatter.add.f32 [tilespmem:s9], [sflag:$0xB], $0x80, s24, s15, $0xb8;
	[tilespmem:$0x1AB00] =	vst v63  }
0x1d9: {  	_ =	swait.ge [sflag:s2], $0x1400  }
0x1da: {  	[sflag:s2] =	ssyncset.done $0x0  }
0x1db: {  	[sflag:s2] =	ssyncadd.s32 $0xFFFFEC00  }
0x1dc: {  	[spmem:s21] =	stream.indirect.scatter.add.f32 [tilespmem:s6], [sflag:$0xC], $0x80, s0, s15, $0xb8;
	[tilespmem:$0x1AB00] =	vst v63  }
0x1dd: {  	_ =	swait.ge [sflag:s25], $0x1400  }
0x1de: {  	[sflag:s25] =	ssyncset.done $0x0  }
0x1df: {  	[sflag:s25] =	ssyncadd.s32 $0xFFFFEC00  }
0x1e0: {  	_ =	swait.ge [sflag:s4], $0x1400  }
0x1e1: {  	[sflag:s4] =	ssyncset.done $0x0  }
0x1e2: {  	[sflag:s4] =	ssyncadd.s32 $0xFFFFEC00  }
0x1e3: {  	_ =	swait.ge [sflag:s17], $0x1400  }
0x1e4: {  	[sflag:s17] =	ssyncset.done $0x0  }
0x1e5: {  	[sflag:s17] =	ssyncadd.s32 $0xFFFFEC00  }
0x1e6: {  	_ =	swait.ge [sflag:s30], $0x1400  }
0x1e7: {  	[sflag:s30] =	ssyncset.done $0x0  }
0x1e8: {  	[sflag:s30] =	ssyncadd.s32 $0xFFFFEC00  }
0x1e9: {  	_ =	swait.ge [sflag:s31], $0x1400  }
0x1ea: {  	[sflag:s31] =	ssyncset.done $0x0  }
0x1eb: {  	[sflag:s31] =	ssyncadd.s32 $0xFFFFEC00  }
0x1ec: {  	[bflag:$0x0] =	sbarrier.arrive $0xFFFF  }
0x1ed: {  	s26 =	sld [smem:$0x7FB]  }
0x1ee: {  	s24 =	rddreg [dreg:$0x10]  }
0x1ef: {  	s29 =	simm.s32 $0xE;
	s25 =	rddreg [dreg:$0x1f];
	s0 =	sor.u32 $0x1C0E, s24  }
0x1f0: {  	[hbm:s25], [sflag:s0] =	dma.local [spmem:s26], $0x2800  }
0x1f1: {  	_ =	swait.ge [sflag:s29], $0x2800  }
0x1f2: {  	s30 =	sld [smem:$0x7FA]  }
0x1f3: {  	s31 =	sld [smem:$0x7FC];
	_ =	sdelay $0x1  }
0x1f4: {  	s4 =	sadd.s32 $0x1, s30  }
0x1f5: {  	p0 =	sne.s32 s4, s31  }
.Ltmp1:
0x1f6: {  	_ = 	snop;
	(pc) =	sbr.rel @p0 .LBB2_1-.Ltmp1, $3  }
0x1f7: {  	_ =	sdelay $0x1  }
0x1f8: {  	s28 =	simm.s32 $0xA0;
	[sflag:s29] =	ssyncset.done $0x0  }
0x1f9: {  	s24 =	simm.s32 $0x78;
	s19 =	rddreg [dreg:$0xe];
	[sflag:s29] =	ssyncadd.s32 $0xFFFFD800  }
0x1fa: {  	_ =	sfence.sel $0x180000  }
0x1fb: {  	[bflag:$0x0] =	sbarrier.arrive $0xFFFF  }
0x1fc: {  	_ =	strace $0x90000047  }
0x1fd: {  	s0 =	stileid.u32;
	[bflag:$0x2] =	sbarrier.arrive $0xFFFF  }
0x1fe: {  	p0 =	sne.s32 s0, $0x0;
	s0 =	rddreg [dreg:$0x3]  }
0x1ff: {  	s0 =	sadd.s32 @!p0 $0x100000, s0  }
0x200: {  	[sflag:s0] =	ssyncadd.tile.s32 @!p0 $0x1;
	_ =	shalt  }
.Lfunc_end2:
_tile_overlayer_lowered:
.L_overlay_start_2:
0x201: {  	(tag) =	ssettag $0x2  }
0x202: {  	s0 =	rddreg [dreg:$0x0];
	s2 =	stileid.u32  }
0x203: {  	s1 =	rddreg [dreg:$0x1];
	p0 =	sne.s32 s2, $0x0  }
0x204: {  	s3 =	rddreg [dreg:$0x2];
	[bflag:$0x3] =	sbarrier.arrive $0xFFFF;
	s2 =	simm.s32 @!p0 $0x1C0E  }
0x205: {  	[timem:s3], [sflag:s2] =	dma.local @!p0 [hbm:s0], s1  }
0x206: {  	s0 =	simm.s32 @!p0 $0xE  }
0x207: {  	_ =	swait.ge @!p0 [sflag:s0], s1  }
0x208: {  	s1 =	ssub.s32 @!p0 $0x0, s1;
	[sflag:s0] =	ssyncset.done @!p0 $0x0  }
0x209: {  	[sflag:s0] =	ssyncadd.s32 @!p0 s1  }
0x20a: {  	[bflag:$0x3] =	sbarrier.arrive $0xFFFF  }
0x20b: {  	_ =	shalt  }

</sc_bundles>
